<compile_context>
chip_gen: v7x
topology: tpu7x:2x2x1
jax: 0.10.2.dev20260603
libtpu: 0.0.44.dev20260713+nightly
codegen_flags: <defaults>
</compile_context>

<pallas_src>
import functools

import jax
import jax.numpy as jnp
from jax import lax
from jax.experimental import pallas as pl
from jax.experimental.pallas import tpu as pltpu
from jax.experimental.pallas import tpu_sc as plsc

_L = 2048
_D = 768
_H = 64
_E = 64
_Q = 4
_NQ = _E // _Q
_RB = 256
_NRB = _L // _RB
_TP = 64
_TF = 256
_CX = 9216
_NBF = 40
_NSEGT = 168
_NC = 2
_NS = 16
_TPW = _L // (_NC * _NS)

_BE_OFF = _L
_QIDX_OFF = _BE_OFF + _NSEGT
_ESRC_OFF = _QIDX_OFF + _NBF
_EDST_OFF = _ESRC_OFF + _NBF
_META_N = _EDST_OFF + _NBF


_HL = _L // 2


def _route_meta_body(x_ref, rlt_ref, rs_ref, meta_ref, eid_s, rank_s, cnt_s):
    j = pl.program_id(0)
    x = x_ref[...]
    var = jnp.mean(x * x, axis=1, keepdims=True)
    ri = x * lax.rsqrt(var + 1e-6)
    ri = ri * lax.rsqrt(jnp.float32(_D)) * rs_ref[...].reshape(1, _D)
    logits = lax.dot_general(ri, rlt_ref[...], (((1,), (1,)), ((), ())),
                             preferred_element_type=jnp.float32)
    m = jnp.max(logits, axis=1, keepdims=True)
    ids_h = lax.broadcasted_iota(jnp.int32, (_HL, _E), 1)
    eid = jnp.min(jnp.where(logits == m, ids_h, _E), axis=1, keepdims=True)
    oh_h = (eid == ids_h).astype(jnp.float32)

    row = lax.broadcasted_iota(jnp.int32, (_RB, _RB), 0)
    col = lax.broadcasted_iota(jnp.int32, (_RB, _RB), 1)
    ls = (col < row).astype(jnp.float32)
    cnt = jnp.where(j == 0, jnp.zeros((1, _E), jnp.float32), cnt_s[...])
    rank_parts = []
    for b in range(_HL // _RB):
        ohb = oh_h[b * _RB:(b + 1) * _RB, :]
        cum = lax.dot_general(ls, ohb, (((1,), (0,)), ((), ())),
                              preferred_element_type=jnp.float32) + cnt
        rank_parts.append(jnp.sum(ohb * cum, axis=1, keepdims=True))
        cnt = cnt + jnp.sum(ohb, axis=0, keepdims=True)
    cnt_s[...] = cnt
    base = j * _HL
    eid_s[pl.ds(base, _HL), :] = eid
    rank_s[pl.ds(base, _HL), :] = jnp.concatenate(rank_parts, axis=0)

    @pl.when(j == 1)
    def _meta():
        _emit_meta(meta_ref, eid_s, rank_s, cnt_s)


def _emit_meta(meta_ref, eid_s, rank_s, cnt_s):
    cnt = cnt_s[...]
    ids = lax.broadcasted_iota(jnp.int32, (_L, _E), 1)
    oh = (eid_s[...] == ids).astype(jnp.float32)
    rank = rank_s[...]

    pc = jnp.floor((cnt + (_TP - 1)) * (1.0 / _TP)) * _TP
    r64 = lax.broadcasted_iota(jnp.int32, (_E, _E), 0)
    c64 = lax.broadcasted_iota(jnp.int32, (_E, _E), 1)
    uq = ((r64 < c64) & (r64 // _Q == c64 // _Q)).astype(jnp.float32)
    po_in = lax.dot_general(pc, uq, (((1,), (0,)), ((), ())),
                            preferred_element_type=jnp.float32)
    e2q = (lax.broadcasted_iota(jnp.int32, (_E, _NQ), 0) // _Q
           == lax.broadcasted_iota(jnp.int32, (_E, _NQ), 1)).astype(jnp.float32)
    qsum = lax.dot_general(pc, e2q, (((1,), (0,)), ((), ())),
                           preferred_element_type=jnp.float32)
    qpc = jnp.floor((qsum + (_TF - 1)) * (1.0 / _TF)) * _TF
    r16 = lax.broadcasted_iota(jnp.int32, (_NQ, _NQ), 0)
    c16 = lax.broadcasted_iota(jnp.int32, (_NQ, _NQ), 1)
    u16 = (r16 < c16).astype(jnp.float32)
    qpo = lax.dot_general(qpc, u16, (((1,), (0,)), ((), ())),
                          preferred_element_type=jnp.float32)
    q2e = (lax.broadcasted_iota(jnp.int32, (_NQ, _E), 0)
           == lax.broadcasted_iota(jnp.int32, (_NQ, _E), 1) // _Q).astype(jnp.float32)
    qpo_e = lax.dot_general(qpo, q2e, (((1,), (0,)), ((), ())),
                            preferred_element_type=jnp.float32)
    po = qpo_e + po_in
    pend = po + pc
    tot = jnp.sum(qpc, axis=1, keepdims=True)

    pog = jnp.sum(oh * po, axis=1, keepdims=True)
    meta_ref[0:_L] = (pog + rank).astype(jnp.int32).reshape(_L)

    sseg = lax.broadcasted_iota(jnp.int32, (_NSEGT, 1), 0).astype(jnp.float32) * _TP
    be_f = jnp.sum((pend <= sseg).astype(jnp.float32), axis=1, keepdims=True)
    meta_ref[_BE_OFF:_BE_OFF + _NSEGT] = be_f.astype(jnp.int32).reshape(_NSEGT)

    bi = lax.broadcasted_iota(jnp.int32, (_NBF, 1), 0).astype(jnp.float32)
    sv = jnp.minimum(bi * _TF, tot - _TF)
    qend = qpo + qpc
    meta_ref[_QIDX_OFF:_QIDX_OFF + _NBF] = jnp.sum(
        (qend <= sv).astype(jnp.float32), axis=1, keepdims=True).astype(jnp.int32).reshape(_NBF)
    ub = tot * (1.0 / _TF)
    meta_ref[_ESRC_OFF:_ESRC_OFF + _NBF] = jnp.minimum(bi, ub - 1.0).astype(jnp.int32).reshape(_NBF)
    meta_ref[_EDST_OFF:_EDST_OFF + _NBF] = jnp.where(
        bi < ub, bi, jnp.float32(_NBF)).astype(jnp.int32).reshape(_NBF)


def _ffn_body(meta_r, pes_r, xs_ref, ge_ref, lin_ref, ys_ref):
    b = pl.program_id(0)

    @pl.when(meta_r[_EDST_OFF + b] < _NBF)
    def _go():
        xb = xs_ref[...]
        w0 = ge_ref[0, :, 0].reshape(_TF, _D)
        w1 = ge_ref[0, :, 1].reshape(_TF, _D)
        g0 = lax.dot_general(xb, w0, (((1,), (1,)), ((), ())),
                             preferred_element_type=jnp.float32)
        g1 = lax.dot_general(xb, w1, (((1,), (1,)), ((), ())),
                             preferred_element_type=jnp.float32)
        cseg = lax.broadcasted_iota(jnp.int32, (_TF, _TF), 1) // _TP
        rs1 = lax.broadcasted_iota(jnp.int32, (_TF, 1), 0) // _TP
        q4 = _Q * meta_r[_QIDX_OFF + b]
        erow = jnp.zeros((_TF, 1), jnp.int32)
        prow = jnp.zeros((_TF, 1), jnp.float32)
        for k in range(_Q):
            ek = meta_r[_BE_OFF + _Q * b + k]
            sel = rs1 == k
            erow = jnp.where(sel, ek - q4, erow)
            prow = prow + sel.astype(jnp.float32) * pes_r[jnp.minimum(ek, _E - 1)]
        sc2d = jnp.where(erow == cseg, prow, 0.0)
        act = jax.nn.gelu(g0) * g1 * sc2d
        ys_ref[...] = lax.dot_general(act, lin_ref[0], (((1,), (0,)), ((), ())),
                                      preferred_element_type=jnp.float32)


@functools.cache
def _sc_kernels():
    mesh = plsc.VectorSubcoreMesh(core_axis_name="c", subcore_axis_name="s",
                                  num_cores=_NC, num_subcores=_NS)
    scratch = [
        pltpu.VMEM((_TPW,), jnp.int32),
        pltpu.VMEM((_TPW, _D), jnp.float32),
        pltpu.SemaphoreType.DMA,
    ]

    @functools.partial(
        pl.kernel, mesh=mesh,
        out_type=jax.ShapeDtypeStruct((_CX, _D), jnp.float32),
        scratch_types=scratch,
    )
    def sc_scatter(x_hbm, pos_hbm, xs_hbm, idx_v, rows_v, sem):
        wid = lax.axis_index("s") * _NC + lax.axis_index("c")
        base = wid * _TPW
        pltpu.sync_copy(pos_hbm.at[pl.ds(base, _TPW)], idx_v)
        pltpu.sync_copy(x_hbm.at[pl.ds(base, _TPW)], rows_v)
        pltpu.async_copy(rows_v, xs_hbm.at[idx_v], sem).wait()

    @functools.partial(
        pl.kernel, mesh=mesh,
        out_type=jax.ShapeDtypeStruct((_L, _D), jnp.float32),
        scratch_types=scratch,
    )
    def sc_gather(ys_hbm, pos_hbm, out_hbm, idx_v, rows_v, sem):
        wid = lax.axis_index("s") * _NC + lax.axis_index("c")
        base = wid * _TPW
        pltpu.sync_copy(pos_hbm.at[pl.ds(base, _TPW)], idx_v)
        pltpu.async_copy(ys_hbm.at[idx_v], rows_v, sem).wait()
        pltpu.sync_copy(rows_v, out_hbm.at[pl.ds(base, _TPW)])

    return sc_scatter, sc_gather


@jax.jit
def kernel(x, router_scale, router_logits, gating_einsum, linear, per_expert_scale):
    B, L, D = x.shape
    x2 = x.reshape(L, D)
    ge5 = gating_einsum.reshape(_NQ, _Q, 2, _H, D)
    lin3 = linear.reshape(_NQ, _Q * _H, D)

    meta = pl.pallas_call(
        _route_meta_body,
        grid=(2,),
        in_specs=[
            pl.BlockSpec((_HL, D), lambda i: (i, 0)),
            pl.BlockSpec((_E, D), lambda i: (0, 0)),
            pl.BlockSpec((D,), lambda i: (0,)),
        ],
        out_specs=pl.BlockSpec((_META_N,), lambda i: (0,)),
        out_shape=jax.ShapeDtypeStruct((_META_N,), jnp.int32),
        scratch_shapes=[
            pltpu.VMEM((L, 1), jnp.int32),
            pltpu.VMEM((L, 1), jnp.float32),
            pltpu.VMEM((1, _E), jnp.float32),
        ],
        compiler_params=pltpu.CompilerParams(
            dimension_semantics=("arbitrary",),
        ),
    )(x2, router_logits.T, router_scale)

    sc_scatter, sc_gather = _sc_kernels()
    xs = sc_scatter(x2, meta)

    ys = pl.pallas_call(
        _ffn_body,
        grid_spec=pltpu.PrefetchScalarGridSpec(
            num_scalar_prefetch=2,
            grid=(_NBF,),
            in_specs=[
                pl.BlockSpec((_TF, D),
                             lambda b, m_r, p_r: (m_r[_ESRC_OFF + b], 0)),
                pl.BlockSpec((1, _Q, 2, _H, D),
                             lambda b, m_r, p_r: (m_r[_QIDX_OFF + b], 0, 0, 0, 0)),
                pl.BlockSpec((1, _Q * _H, D),
                             lambda b, m_r, p_r: (m_r[_QIDX_OFF + b], 0, 0)),
            ],
            out_specs=pl.BlockSpec((_TF, D),
                                   lambda b, m_r, p_r: (m_r[_EDST_OFF + b], 0)),
        ),
        out_shape=jax.ShapeDtypeStruct(((_NBF + 1) * _TF, D), jnp.float32),
        compiler_params=pltpu.CompilerParams(
            dimension_semantics=("arbitrary",),
        ),
    )(meta, per_expert_scale, xs, ge5, lin3)

    out2 = sc_gather(ys, meta)
    return out2.reshape(B, L, D)

# --- scband reference (transcript-rebuilt; emitter-appended) ---
"""Pipeline reference for scband-mo-e-7206955123114 (READ-ONLY COPY).

The authoritative reference and input builder live on the scoring server;
editing this copy changes nothing except your own understanding.
"""

import jax, jax.numpy as jnp
import numpy as np

FEATURES = 768
HIDDEN = 64
NUM_EXPERTS = 64
TOP_K = 1


def setup_inputs(seed: int = 0) -> dict:
    key = jax.random.key(seed)
    ks = jax.random.split(key, 4)
    x = jax.random.normal(ks[0], (1, 2048, FEATURES), dtype=jnp.float32)
    router_scale = jnp.ones((FEATURES,), dtype=jnp.float32)
    router_logits = jax.random.normal(ks[1], (FEATURES, NUM_EXPERTS), dtype=jnp.float32) * 0.02
    gating_einsum = jax.random.normal(ks[2], (NUM_EXPERTS, 2, HIDDEN, FEATURES), dtype=jnp.float32) * 0.02
    linear = jax.random.normal(ks[3], (NUM_EXPERTS, HIDDEN, FEATURES), dtype=jnp.float32) * 0.02
    per_expert_scale = jnp.ones((NUM_EXPERTS,), dtype=jnp.float32)
    return {"x": x, "router_scale": router_scale, "router_logits": router_logits,
            "gating_einsum": gating_einsum, "linear": linear,
            "per_expert_scale": per_expert_scale}


def _rms_norm_no_scale(x):
    x32 = x.astype(jnp.float32)
    variance = jnp.mean(jnp.square(x32), axis=-1, keepdims=True)
    return x32 * jax.lax.rsqrt(variance + 1e-06)


def reference(x, router_scale, router_logits, gating_einsum, linear, per_expert_scale):
    B, L, D = x.shape
    router_input = _rms_norm_no_scale(x)
    root_size = jax.lax.rsqrt(jnp.array(D, dtype=router_input.dtype))
    router_input = router_input * root_size * router_scale.astype(router_input.dtype)
    logits = jnp.dot(router_input, router_logits)
    logits_f32 = logits.astype(jnp.float32)
    probs = jax.nn.softmax(logits_f32, axis=-1)
    top_k_logits, top_k_indices = jax.lax.top_k(logits_f32, TOP_K)
    indicator = jax.nn.one_hot(top_k_indices, NUM_EXPERTS, dtype=probs.dtype)
    gate_weights = indicator.sum(axis=-2) * probs
    renorm = jnp.sum(gate_weights, axis=-1, keepdims=True)
    renorm = jnp.where(renorm > 0.0, renorm, 1.0)
    weights = probs / renorm
    top_k_weights = jnp.take_along_axis(weights, top_k_indices, axis=-1)
    output = jnp.zeros_like(x)
    for ki in range(TOP_K):
        expert_idx = top_k_indices[:, :, ki]
        expert_w = top_k_weights[:, :, ki]
        gate_params = gating_einsum[expert_idx]
        lin_params = linear[expert_idx]
        escale = per_expert_scale[expert_idx]
        gate_0 = jnp.einsum('bld,blhd->blh', x, gate_params[:, :, 0, :, :])
        gate_1 = jnp.einsum('bld,blhd->blh', x, gate_params[:, :, 1, :, :])
        activated = jax.nn.gelu(gate_0) * gate_1
        expert_out = jnp.einsum('blh,blhd->bld', activated, lin_params)
        expert_out = expert_out * escale[..., jnp.newaxis]
        expert_out = expert_out * expert_w[..., jnp.newaxis]
        output = output + expert_out
    return output

if __name__ == "__main__":
    import jax
    _d = setup_inputs()
    print(jax.jit(kernel)(*tuple(_d.values())))

</pallas_src>

<mosaic_0001>
#map = affine_map<(d0, d1) -> (0, 0)>
#map1 = affine_map<(d0, d1) -> (0)>
module attributes {stable_mosaic.version = 14 : i64} {
  func.func @sc_gather(%arg0: i32, %arg1: i32, %arg2: memref<10496x768xf32, #tpu.memory_space<hbm>>, %arg3: memref<2336xi32, #tpu.memory_space<hbm>>, %arg4: memref<2048x768xf32, #tpu.memory_space<hbm>>, %arg5: memref<64xi32, #tpu.memory_space<vmem>>, %arg6: memref<64x768xf32, #tpu.memory_space<vmem>>, %arg7: memref<!tpu.dma_semaphore, #tpu.memory_space<semaphore_mem>>) attributes {dimension_semantics = [#tpu.dimension_semantics<core_parallel>, #tpu.dimension_semantics<subcore_parallel>], iteration_bounds = array<i64: 2, 16>, scalar_prefetch = 0 : i64, scratch_operands = 3 : i64, tpu.core_type = #tpu.core_type<sc_vector_subcore>, window_params = [{transform_indices = #map}, {transform_indices = #map1}, {transform_indices = #map}]} {
    %mul3A = arith.constant 2 : i32
    %mul3A_0 = arith.muli %arg1, %mul3A : i32
    %add3A = arith.addi %mul3A_0, %arg0 : i32
    %mul3A_1 = arith.constant 64 : i32
    %mul3A_2 = arith.muli %add3A, %mul3A_1 : i32
    "tpu.region"() ({
      %run_scoped3A = tpu.sem_alloc : memref<!tpu.dma_semaphore, #tpu.memory_space<semaphore_mem>>
      %dma_start3A_7 = tpu.memref_slice %arg3[%mul3A_2] : memref<2336xi32, #tpu.memory_space<hbm>> -> memref<64xi32, #tpu.memory_space<hbm>>
      %dma_start3A_8 = tpu.memref_slice %arg3[%mul3A_2] : memref<2336xi32, #tpu.memory_space<hbm>> -> memref<64xi32, #tpu.memory_space<hbm>>
      tpu.enqueue_dma source(%dma_start3A_8 : memref<64xi32, #tpu.memory_space<hbm>>) target(%arg5 : memref<64xi32, #tpu.memory_space<vmem>>) target_semaphore(%run_scoped3A : memref<!tpu.dma_semaphore, #tpu.memory_space<semaphore_mem>>)
      %dma_wait3A_9 = tpu.memref_slice %arg3[%mul3A_2] : memref<2336xi32, #tpu.memory_space<hbm>> -> memref<64xi32, #tpu.memory_space<hbm>>
      %dma_wait3A_10 = tpu.memref_slice %arg3[%mul3A_2] : memref<2336xi32, #tpu.memory_space<hbm>> -> memref<64xi32, #tpu.memory_space<hbm>>
      tpu.wait_dma2 semaphore(%run_scoped3A : memref<!tpu.dma_semaphore, #tpu.memory_space<semaphore_mem>>) src(%dma_wait3A_10 : memref<64xi32, #tpu.memory_space<hbm>>) dst(%arg5 : memref<64xi32, #tpu.memory_space<vmem>>)
      tpu.yield
    }) : () -> ()
    %dma_start3A = arith.constant 0 : i32
    %dma_start3A_3 = arith.constant 0 : i32
    %dma_start3A_4 = tpu.memref_slice %arg2[%dma_start3A, %dma_start3A_3] : memref<10496x768xf32, #tpu.memory_space<hbm>> -> memref<10496x768xf32, #tpu.memory_space<hbm>>
    tpu.enqueue_indirect_dma source(%dma_start3A_4 : memref<10496x768xf32, #tpu.memory_space<hbm>>) target(%arg6 : memref<64x768xf32, #tpu.memory_space<vmem>>) offsets(%arg5 : memref<64xi32, #tpu.memory_space<vmem>>) semaphore(%arg7 : memref<!tpu.dma_semaphore, #tpu.memory_space<semaphore_mem>>)
    %dma_wait3A = arith.constant 0 : i32
    %dma_wait3A_5 = arith.constant 0 : i32
    %dma_wait3A_6 = tpu.memref_slice %arg2[%dma_wait3A, %dma_wait3A_5] : memref<10496x768xf32, #tpu.memory_space<hbm>> -> memref<10496x768xf32, #tpu.memory_space<hbm>>
    tpu.wait_indirect_dma semaphore(%arg7 : memref<!tpu.dma_semaphore, #tpu.memory_space<semaphore_mem>>) src(%dma_wait3A_6 : memref<10496x768xf32, #tpu.memory_space<hbm>>) dst(%arg6 : memref<64x768xf32, #tpu.memory_space<vmem>>)
    "tpu.region"() ({
      %run_scoped3A = tpu.sem_alloc : memref<!tpu.dma_semaphore, #tpu.memory_space<semaphore_mem>>
      %dma_start3A_7 = arith.constant 0 : i32
      %dma_start3A_8 = tpu.memref_slice %arg4[%mul3A_2, %dma_start3A_7] : memref<2048x768xf32, #tpu.memory_space<hbm>> -> memref<64x768xf32, #tpu.memory_space<hbm>>
      %dma_start3A_9 = arith.constant 0 : i32
      %dma_start3A_10 = tpu.memref_slice %arg4[%mul3A_2, %dma_start3A_9] : memref<2048x768xf32, #tpu.memory_space<hbm>> -> memref<64x768xf32, #tpu.memory_space<hbm>>
      tpu.enqueue_dma source(%arg6 : memref<64x768xf32, #tpu.memory_space<vmem>>) target(%dma_start3A_10 : memref<64x768xf32, #tpu.memory_space<hbm>>) target_semaphore(%run_scoped3A : memref<!tpu.dma_semaphore, #tpu.memory_space<semaphore_mem>>)
      %dma_wait3A_11 = arith.constant 0 : i32
      %dma_wait3A_12 = tpu.memref_slice %arg4[%mul3A_2, %dma_wait3A_11] : memref<2048x768xf32, #tpu.memory_space<hbm>> -> memref<64x768xf32, #tpu.memory_space<hbm>>
      %dma_wait3A_13 = arith.constant 0 : i32
      %dma_wait3A_14 = tpu.memref_slice %arg4[%mul3A_2, %dma_wait3A_13] : memref<2048x768xf32, #tpu.memory_space<hbm>> -> memref<64x768xf32, #tpu.memory_space<hbm>>
      tpu.wait_dma2 semaphore(%run_scoped3A : memref<!tpu.dma_semaphore, #tpu.memory_space<semaphore_mem>>) src(%arg6 : memref<64x768xf32, #tpu.memory_space<vmem>>) dst(%dma_wait3A_14 : memref<64x768xf32, #tpu.memory_space<hbm>>)
      tpu.yield
    }) : () -> ()
    return
  }
}

#map = affine_map<(d0, d1) -> (0, 0)>
#map1 = affine_map<(d0, d1) -> (0)>
module attributes {stable_mosaic.version = 14 : i64} {
  func.func @sc_scatter(%arg0: i32, %arg1: i32, %arg2: memref<2048x768xf32, #tpu.memory_space<hbm>>, %arg3: memref<2336xi32, #tpu.memory_space<hbm>>, %arg4: memref<9216x768xf32, #tpu.memory_space<hbm>>, %arg5: memref<64xi32, #tpu.memory_space<vmem>>, %arg6: memref<64x768xf32, #tpu.memory_space<vmem>>, %arg7: memref<!tpu.dma_semaphore, #tpu.memory_space<semaphore_mem>>) attributes {dimension_semantics = [#tpu.dimension_semantics<core_parallel>, #tpu.dimension_semantics<subcore_parallel>], iteration_bounds = array<i64: 2, 16>, scalar_prefetch = 0 : i64, scratch_operands = 3 : i64, tpu.core_type = #tpu.core_type<sc_vector_subcore>, window_params = [{transform_indices = #map}, {transform_indices = #map1}, {transform_indices = #map}]} {
    %mul3A = arith.constant 2 : i32
    %mul3A_0 = arith.muli %arg1, %mul3A : i32
    %add3A = arith.addi %mul3A_0, %arg0 : i32
    %mul3A_1 = arith.constant 64 : i32
    %mul3A_2 = arith.muli %add3A, %mul3A_1 : i32
    "tpu.region"() ({
      %run_scoped3A = tpu.sem_alloc : memref<!tpu.dma_semaphore, #tpu.memory_space<semaphore_mem>>
      %dma_start3A_7 = tpu.memref_slice %arg3[%mul3A_2] : memref<2336xi32, #tpu.memory_space<hbm>> -> memref<64xi32, #tpu.memory_space<hbm>>
      %dma_start3A_8 = tpu.memref_slice %arg3[%mul3A_2] : memref<2336xi32, #tpu.memory_space<hbm>> -> memref<64xi32, #tpu.memory_space<hbm>>
      tpu.enqueue_dma source(%dma_start3A_8 : memref<64xi32, #tpu.memory_space<hbm>>) target(%arg5 : memref<64xi32, #tpu.memory_space<vmem>>) target_semaphore(%run_scoped3A : memref<!tpu.dma_semaphore, #tpu.memory_space<semaphore_mem>>)
      %dma_wait3A_9 = tpu.memref_slice %arg3[%mul3A_2] : memref<2336xi32, #tpu.memory_space<hbm>> -> memref<64xi32, #tpu.memory_space<hbm>>
      %dma_wait3A_10 = tpu.memref_slice %arg3[%mul3A_2] : memref<2336xi32, #tpu.memory_space<hbm>> -> memref<64xi32, #tpu.memory_space<hbm>>
      tpu.wait_dma2 semaphore(%run_scoped3A : memref<!tpu.dma_semaphore, #tpu.memory_space<semaphore_mem>>) src(%dma_wait3A_10 : memref<64xi32, #tpu.memory_space<hbm>>) dst(%arg5 : memref<64xi32, #tpu.memory_space<vmem>>)
      tpu.yield
    }) : () -> ()
    "tpu.region"() ({
      %run_scoped3A = tpu.sem_alloc : memref<!tpu.dma_semaphore, #tpu.memory_space<semaphore_mem>>
      %dma_start3A_7 = arith.constant 0 : i32
      %dma_start3A_8 = tpu.memref_slice %arg2[%mul3A_2, %dma_start3A_7] : memref<2048x768xf32, #tpu.memory_space<hbm>> -> memref<64x768xf32, #tpu.memory_space<hbm>>
      %dma_start3A_9 = arith.constant 0 : i32
      %dma_start3A_10 = tpu.memref_slice %arg2[%mul3A_2, %dma_start3A_9] : memref<2048x768xf32, #tpu.memory_space<hbm>> -> memref<64x768xf32, #tpu.memory_space<hbm>>
      tpu.enqueue_dma source(%dma_start3A_10 : memref<64x768xf32, #tpu.memory_space<hbm>>) target(%arg6 : memref<64x768xf32, #tpu.memory_space<vmem>>) target_semaphore(%run_scoped3A : memref<!tpu.dma_semaphore, #tpu.memory_space<semaphore_mem>>)
      %dma_wait3A_11 = arith.constant 0 : i32
      %dma_wait3A_12 = tpu.memref_slice %arg2[%mul3A_2, %dma_wait3A_11] : memref<2048x768xf32, #tpu.memory_space<hbm>> -> memref<64x768xf32, #tpu.memory_space<hbm>>
      %dma_wait3A_13 = arith.constant 0 : i32
      %dma_wait3A_14 = tpu.memref_slice %arg2[%mul3A_2, %dma_wait3A_13] : memref<2048x768xf32, #tpu.memory_space<hbm>> -> memref<64x768xf32, #tpu.memory_space<hbm>>
      tpu.wait_dma2 semaphore(%run_scoped3A : memref<!tpu.dma_semaphore, #tpu.memory_space<semaphore_mem>>) src(%dma_wait3A_14 : memref<64x768xf32, #tpu.memory_space<hbm>>) dst(%arg6 : memref<64x768xf32, #tpu.memory_space<vmem>>)
      tpu.yield
    }) : () -> ()
    %dma_start3A = arith.constant 0 : i32
    %dma_start3A_3 = arith.constant 0 : i32
    %dma_start3A_4 = tpu.memref_slice %arg4[%dma_start3A, %dma_start3A_3] : memref<9216x768xf32, #tpu.memory_space<hbm>> -> memref<9216x768xf32, #tpu.memory_space<hbm>>
    tpu.enqueue_indirect_dma source(%arg6 : memref<64x768xf32, #tpu.memory_space<vmem>>) target(%dma_start3A_4 : memref<9216x768xf32, #tpu.memory_space<hbm>>) offsets(%arg5 : memref<64xi32, #tpu.memory_space<vmem>>) semaphore(%arg7 : memref<!tpu.dma_semaphore, #tpu.memory_space<semaphore_mem>>)
    %dma_wait3A = arith.constant 0 : i32
    %dma_wait3A_5 = arith.constant 0 : i32
    %dma_wait3A_6 = tpu.memref_slice %arg4[%dma_wait3A, %dma_wait3A_5] : memref<9216x768xf32, #tpu.memory_space<hbm>> -> memref<9216x768xf32, #tpu.memory_space<hbm>>
    tpu.wait_indirect_dma semaphore(%arg7 : memref<!tpu.dma_semaphore, #tpu.memory_space<semaphore_mem>>) src(%arg6 : memref<64x768xf32, #tpu.memory_space<vmem>>) dst(%dma_wait3A_6 : memref<9216x768xf32, #tpu.memory_space<hbm>>)
    return
  }
}

module attributes {stable_mosaic.version = 14 : i64} {
  func.func @_ffn_body(%arg0: i32, %arg1: memref<2336xi32, #tpu.memory_space<smem>>, %arg2: memref<64xf32, #tpu.memory_space<smem>>, %arg3: memref<256x768xf32, #tpu.memory_space<vmem>>, %arg4: memref<1x4x2x64x768xf32, #tpu.memory_space<vmem>>, %arg5: memref<1x256x768xf32, #tpu.memory_space<vmem>>, %arg6: memref<256x768xf32, #tpu.memory_space<vmem>>) attributes {dimension_semantics = [#tpu.dimension_semantics<arbitrary>], iteration_bounds = array<i64: 40>, scalar_prefetch = 2 : i64, scratch_operands = 0 : i64, tpu.core_type = #tpu.core_type<tc>, window_params = [{transform_indices = @transform_0, window_bounds = array<i64: 256, 768>}, {transform_indices = @transform_1, window_bounds = array<i64: 1, 4, 2, 64, 768>}, {transform_indices = @transform_2, window_bounds = array<i64: 1, 256, 768>}, {transform_indices = @transform_3, window_bounds = array<i64: 256, 768>}]} {
    %add3A = arith.constant 2296 : i32
    %add3A_0 = arith.addi %add3A, %arg0 : i32
    %get3A = arith.index_cast %add3A_0 : i32 to index
    %get3A_1 = memref.load %arg1[%get3A] : memref<2336xi32, #tpu.memory_space<smem>>
    %lt3A = arith.constant 40 : i32
    %lt3A_2 = arith.cmpi slt, %get3A_1, %lt3A : i32
    %convert_element_type3A = arith.extui %lt3A_2 : i1 to i32
    %cond3A = arith.constant 0 : i32
    %cond3A_3 = arith.cmpi ne, %convert_element_type3A, %cond3A : i32
    scf.if %cond3A_3 {
      %get3A_4 = arith.constant 0 : index
      %get3A_5 = arith.constant 0 : index
      %get3A_6 = vector.load %arg3[%get3A_4, %get3A_5] : memref<256x768xf32, #tpu.memory_space<vmem>>, vector<256x768xf32>
      %get3A_7 = arith.constant 0 : index
      %get3A_8 = arith.constant 0 : index
      %get3A_9 = arith.constant 0 : index
      %get3A_10 = arith.constant 0 : index
      %get3A_11 = arith.constant 0 : index
      %get3A_12 = vector.load %arg4[%get3A_7, %get3A_8, %get3A_9, %get3A_10, %get3A_11] : memref<1x4x2x64x768xf32, #tpu.memory_space<vmem>>, vector<1x4x1x64x768xf32>
      %get3A_13 = vector.shape_cast %get3A_12 : vector<1x4x1x64x768xf32> to vector<4x64x768xf32>
      %reshape3A = vector.shape_cast %get3A_13 : vector<4x64x768xf32> to vector<256x768xf32>
      %get3A_14 = arith.constant 0 : index
      %get3A_15 = arith.constant 0 : index
      %get3A_16 = arith.constant 1 : index
      %get3A_17 = arith.constant 0 : index
      %get3A_18 = arith.constant 0 : index
      %get3A_19 = vector.load %arg4[%get3A_14, %get3A_15, %get3A_16, %get3A_17, %get3A_18] : memref<1x4x2x64x768xf32, #tpu.memory_space<vmem>>, vector<1x4x1x64x768xf32>
      %get3A_20 = vector.shape_cast %get3A_19 : vector<1x4x1x64x768xf32> to vector<4x64x768xf32>
      %reshape3A_21 = vector.shape_cast %get3A_20 : vector<4x64x768xf32> to vector<256x768xf32>
      %dot_general3A = arith.constant dense<0.000000e+00> : vector<256x256xf32>
      %dot_general3A_22 = tpu.matmul %get3A_6, %reshape3A, %dot_general3A {dimension_numbers = #tpu.dot_dimension_numbers<[1], [1], [0], [0], [0, 0, 1, 0], [], []>, transpose_lhs_hint = false} : vector<256x768xf32>, vector<256x768xf32>, vector<256x256xf32> -> vector<256x256xf32>
      %dot_general3A_23 = arith.constant dense<0.000000e+00> : vector<256x256xf32>
      %dot_general3A_24 = tpu.matmul %get3A_6, %reshape3A_21, %dot_general3A_23 {dimension_numbers = #tpu.dot_dimension_numbers<[1], [1], [0], [0], [0, 0, 1, 0], [], []>, transpose_lhs_hint = false} : vector<256x768xf32>, vector<256x768xf32>, vector<256x256xf32> -> vector<256x256xf32>
      %iota3A = tpu.iota {dimensions = array<i32: 1>} : vector<256x256xi32>
      %jit3A = arith.constant 64 : i32
      %div3A = vector.broadcast %jit3A : i32 to vector<256x256xi32>
      %div3A_25 = arith.divsi %iota3A, %div3A : vector<256x256xi32>
      %sign3A = arith.constant 0 : i32
      %sign3A_26 = vector.broadcast %sign3A : i32 to vector<256x256xi32>
      %sign3A_27 = arith.cmpi sgt, %iota3A, %sign3A_26 : vector<256x256xi32>
      %sign3A_28 = arith.extui %sign3A_27 : vector<256x256xi1> to vector<256x256xi32>
      %sign3A_29 = arith.constant 0 : i32
      %sign3A_30 = vector.broadcast %sign3A_29 : i32 to vector<256x256xi32>
      %sign3A_31 = arith.cmpi slt, %iota3A, %sign3A_30 : vector<256x256xi32>
      %sign3A_32 = arith.extui %sign3A_31 : vector<256x256xi1> to vector<256x256xi32>
      %sign3A_33 = arith.subi %sign3A_28, %sign3A_32 : vector<256x256xi32>
      %sign3A_34 = arith.constant 0 : i32
      %sign3A_35 = arith.cmpi sgt, %jit3A, %sign3A_34 : i32
      %sign3A_36 = arith.extui %sign3A_35 : i1 to i32
      %sign3A_37 = arith.constant 0 : i32
      %sign3A_38 = arith.cmpi slt, %jit3A, %sign3A_37 : i32
      %sign3A_39 = arith.extui %sign3A_38 : i1 to i32
      %sign3A_40 = arith.subi %sign3A_36, %sign3A_39 : i32
      %ne3A = vector.broadcast %sign3A_40 : i32 to vector<256x256xi32>
      %ne3A_41 = arith.cmpi ne, %sign3A_33, %ne3A : vector<256x256xi32>
      %rem3A = vector.broadcast %jit3A : i32 to vector<256x256xi32>
      %rem3A_42 = arith.remsi %iota3A, %rem3A : vector<256x256xi32>
      %ne3A_43 = arith.constant 0 : i32
      %ne3A_44 = vector.broadcast %ne3A_43 : i32 to vector<256x256xi32>
      %ne3A_45 = arith.cmpi ne, %rem3A_42, %ne3A_44 : vector<256x256xi32>
      %and3A = arith.andi %ne3A_41, %ne3A_45 : vector<256x256xi1>
      %sub3A = arith.constant 1 : i32
      %sub3A_46 = vector.broadcast %sub3A : i32 to vector<256x256xi32>
      %sub3A_47 = arith.subi %div3A_25, %sub3A_46 : vector<256x256xi32>
      %select_n3A = arith.select %and3A, %sub3A_47, %div3A_25 : vector<256x256xi1>, vector<256x256xi32>
      %iota3A_48 = tpu.iota {dimensions = array<i32: 0>} : vector<256x1xi32>
      %jit3A_49 = arith.constant 64 : i32
      %div3A_50 = vector.broadcast %jit3A_49 : i32 to vector<256x1xi32>
      %div3A_51 = arith.divsi %iota3A_48, %div3A_50 : vector<256x1xi32>
      %sign3A_52 = arith.constant 0 : i32
      %sign3A_53 = vector.broadcast %sign3A_52 : i32 to vector<256x1xi32>
      %sign3A_54 = arith.cmpi sgt, %iota3A_48, %sign3A_53 : vector<256x1xi32>
      %sign3A_55 = arith.extui %sign3A_54 : vector<256x1xi1> to vector<256x1xi32>
      %sign3A_56 = arith.constant 0 : i32
      %sign3A_57 = vector.broadcast %sign3A_56 : i32 to vector<256x1xi32>
      %sign3A_58 = arith.cmpi slt, %iota3A_48, %sign3A_57 : vector<256x1xi32>
      %sign3A_59 = arith.extui %sign3A_58 : vector<256x1xi1> to vector<256x1xi32>
      %sign3A_60 = arith.subi %sign3A_55, %sign3A_59 : vector<256x1xi32>
      %sign3A_61 = arith.constant 0 : i32
      %sign3A_62 = arith.cmpi sgt, %jit3A_49, %sign3A_61 : i32
      %sign3A_63 = arith.extui %sign3A_62 : i1 to i32
      %sign3A_64 = arith.constant 0 : i32
      %sign3A_65 = arith.cmpi slt, %jit3A_49, %sign3A_64 : i32
      %sign3A_66 = arith.extui %sign3A_65 : i1 to i32
      %sign3A_67 = arith.subi %sign3A_63, %sign3A_66 : i32
      %ne3A_68 = vector.broadcast %sign3A_67 : i32 to vector<256x1xi32>
      %ne3A_69 = arith.cmpi ne, %sign3A_60, %ne3A_68 : vector<256x1xi32>
      %rem3A_70 = vector.broadcast %jit3A_49 : i32 to vector<256x1xi32>
      %rem3A_71 = arith.remsi %iota3A_48, %rem3A_70 : vector<256x1xi32>
      %ne3A_72 = arith.constant 0 : i32
      %ne3A_73 = vector.broadcast %ne3A_72 : i32 to vector<256x1xi32>
      %ne3A_74 = arith.cmpi ne, %rem3A_71, %ne3A_73 : vector<256x1xi32>
      %and3A_75 = arith.andi %ne3A_69, %ne3A_74 : vector<256x1xi1>
      %sub3A_76 = arith.constant 1 : i32
      %sub3A_77 = vector.broadcast %sub3A_76 : i32 to vector<256x1xi32>
      %sub3A_78 = arith.subi %div3A_51, %sub3A_77 : vector<256x1xi32>
      %select_n3A_79 = arith.select %and3A_75, %sub3A_78, %div3A_51 : vector<256x1xi1>, vector<256x1xi32>
      %add3A_80 = arith.constant 2216 : i32
      %add3A_81 = arith.addi %add3A_80, %arg0 : i32
      %get3A_82 = arith.index_cast %add3A_81 : i32 to index
      %get3A_83 = memref.load %arg1[%get3A_82] : memref<2336xi32, #tpu.memory_space<smem>>
      %mul3A = arith.constant 4 : i32
      %mul3A_84 = arith.muli %mul3A, %get3A_83 : i32
      %broadcast_in_dim3A = arith.constant 0 : i32
      %broadcast_in_dim3A_85 = vector.broadcast %broadcast_in_dim3A : i32 to vector<256x1xi32>
      %broadcast_in_dim3A_86 = arith.constant 0.000000e+00 : f32
      %broadcast_in_dim3A_87 = vector.broadcast %broadcast_in_dim3A_86 : f32 to vector<256x1xf32>
      %mul3A_88 = arith.constant 4 : i32
      %mul3A_89 = arith.muli %mul3A_88, %arg0 : i32
      %add3A_90 = arith.constant 2048 : i32
      %add3A_91 = arith.addi %add3A_90, %mul3A_89 : i32
      %add3A_92 = arith.constant 0 : i32
      %add3A_93 = arith.addi %add3A_91, %add3A_92 : i32
      %get3A_94 = arith.index_cast %add3A_93 : i32 to index
      %get3A_95 = memref.load %arg1[%get3A_94] : memref<2336xi32, #tpu.memory_space<smem>>
      %eq3A = arith.constant 0 : i32
      %eq3A_96 = vector.broadcast %eq3A : i32 to vector<256x1xi32>
      %eq3A_97 = arith.cmpi eq, %select_n3A_79, %eq3A_96 : vector<256x1xi32>
      %sub3A_98 = arith.subi %get3A_95, %mul3A_84 : i32
      %broadcast_in_dim3A_99 = vector.broadcast %sub3A_98 : i32 to vector<256x1xi32>
      %select_n3A_100 = arith.select %eq3A_97, %broadcast_in_dim3A_99, %broadcast_in_dim3A_85 : vector<256x1xi1>, vector<256x1xi32>
      %convert_element_type3A_101 = arith.extui %eq3A_97 : vector<256x1xi1> to vector<256x1xi32>
      %convert_element_type3A_102 = arith.sitofp %convert_element_type3A_101 : vector<256x1xi32> to vector<256x1xf32>
      %min3A = arith.constant 63 : i32
      %min3A_103 = arith.minsi %get3A_95, %min3A : i32
      %get3A_104 = arith.index_cast %min3A_103 : i32 to index
      %get3A_105 = memref.load %arg2[%get3A_104] : memref<64xf32, #tpu.memory_space<smem>>
      %mul3A_106 = vector.broadcast %get3A_105 : f32 to vector<256x1xf32>
      %mul3A_107 = arith.mulf %convert_element_type3A_102, %mul3A_106 : vector<256x1xf32>
      %add3A_108 = arith.addf %broadcast_in_dim3A_87, %mul3A_107 : vector<256x1xf32>
      %mul3A_109 = arith.constant 4 : i32
      %mul3A_110 = arith.muli %mul3A_109, %arg0 : i32
      %add3A_111 = arith.constant 2048 : i32
      %add3A_112 = arith.addi %add3A_111, %mul3A_110 : i32
      %add3A_113 = arith.constant 1 : i32
      %add3A_114 = arith.addi %add3A_112, %add3A_113 : i32
      %get3A_115 = arith.index_cast %add3A_114 : i32 to index
      %get3A_116 = memref.load %arg1[%get3A_115] : memref<2336xi32, #tpu.memory_space<smem>>
      %eq3A_117 = arith.constant 1 : i32
      %eq3A_118 = vector.broadcast %eq3A_117 : i32 to vector<256x1xi32>
      %eq3A_119 = arith.cmpi eq, %select_n3A_79, %eq3A_118 : vector<256x1xi32>
      %sub3A_120 = arith.subi %get3A_116, %mul3A_84 : i32
      %broadcast_in_dim3A_121 = vector.broadcast %sub3A_120 : i32 to vector<256x1xi32>
      %select_n3A_122 = arith.select %eq3A_119, %broadcast_in_dim3A_121, %select_n3A_100 : vector<256x1xi1>, vector<256x1xi32>
      %convert_element_type3A_123 = arith.extui %eq3A_119 : vector<256x1xi1> to vector<256x1xi32>
      %convert_element_type3A_124 = arith.sitofp %convert_element_type3A_123 : vector<256x1xi32> to vector<256x1xf32>
      %min3A_125 = arith.constant 63 : i32
      %min3A_126 = arith.minsi %get3A_116, %min3A_125 : i32
      %get3A_127 = arith.index_cast %min3A_126 : i32 to index
      %get3A_128 = memref.load %arg2[%get3A_127] : memref<64xf32, #tpu.memory_space<smem>>
      %mul3A_129 = vector.broadcast %get3A_128 : f32 to vector<256x1xf32>
      %mul3A_130 = arith.mulf %convert_element_type3A_124, %mul3A_129 : vector<256x1xf32>
      %add3A_131 = arith.addf %add3A_108, %mul3A_130 : vector<256x1xf32>
      %mul3A_132 = arith.constant 4 : i32
      %mul3A_133 = arith.muli %mul3A_132, %arg0 : i32
      %add3A_134 = arith.constant 2048 : i32
      %add3A_135 = arith.addi %add3A_134, %mul3A_133 : i32
      %add3A_136 = arith.constant 2 : i32
      %add3A_137 = arith.addi %add3A_135, %add3A_136 : i32
      %get3A_138 = arith.index_cast %add3A_137 : i32 to index
      %get3A_139 = memref.load %arg1[%get3A_138] : memref<2336xi32, #tpu.memory_space<smem>>
      %eq3A_140 = arith.constant 2 : i32
      %eq3A_141 = vector.broadcast %eq3A_140 : i32 to vector<256x1xi32>
      %eq3A_142 = arith.cmpi eq, %select_n3A_79, %eq3A_141 : vector<256x1xi32>
      %sub3A_143 = arith.subi %get3A_139, %mul3A_84 : i32
      %broadcast_in_dim3A_144 = vector.broadcast %sub3A_143 : i32 to vector<256x1xi32>
      %select_n3A_145 = arith.select %eq3A_142, %broadcast_in_dim3A_144, %select_n3A_122 : vector<256x1xi1>, vector<256x1xi32>
      %convert_element_type3A_146 = arith.extui %eq3A_142 : vector<256x1xi1> to vector<256x1xi32>
      %convert_element_type3A_147 = arith.sitofp %convert_element_type3A_146 : vector<256x1xi32> to vector<256x1xf32>
      %min3A_148 = arith.constant 63 : i32
      %min3A_149 = arith.minsi %get3A_139, %min3A_148 : i32
      %get3A_150 = arith.index_cast %min3A_149 : i32 to index
      %get3A_151 = memref.load %arg2[%get3A_150] : memref<64xf32, #tpu.memory_space<smem>>
      %mul3A_152 = vector.broadcast %get3A_151 : f32 to vector<256x1xf32>
      %mul3A_153 = arith.mulf %convert_element_type3A_147, %mul3A_152 : vector<256x1xf32>
      %add3A_154 = arith.addf %add3A_131, %mul3A_153 : vector<256x1xf32>
      %mul3A_155 = arith.constant 4 : i32
      %mul3A_156 = arith.muli %mul3A_155, %arg0 : i32
      %add3A_157 = arith.constant 2048 : i32
      %add3A_158 = arith.addi %add3A_157, %mul3A_156 : i32
      %add3A_159 = arith.constant 3 : i32
      %add3A_160 = arith.addi %add3A_158, %add3A_159 : i32
      %get3A_161 = arith.index_cast %add3A_160 : i32 to index
      %get3A_162 = memref.load %arg1[%get3A_161] : memref<2336xi32, #tpu.memory_space<smem>>
      %eq3A_163 = arith.constant 3 : i32
      %eq3A_164 = vector.broadcast %eq3A_163 : i32 to vector<256x1xi32>
      %eq3A_165 = arith.cmpi eq, %select_n3A_79, %eq3A_164 : vector<256x1xi32>
      %sub3A_166 = arith.subi %get3A_162, %mul3A_84 : i32
      %broadcast_in_dim3A_167 = vector.broadcast %sub3A_166 : i32 to vector<256x1xi32>
      %select_n3A_168 = arith.select %eq3A_165, %broadcast_in_dim3A_167, %select_n3A_145 : vector<256x1xi1>, vector<256x1xi32>
      %convert_element_type3A_169 = arith.extui %eq3A_165 : vector<256x1xi1> to vector<256x1xi32>
      %convert_element_type3A_170 = arith.sitofp %convert_element_type3A_169 : vector<256x1xi32> to vector<256x1xf32>
      %min3A_171 = arith.constant 63 : i32
      %min3A_172 = arith.minsi %get3A_162, %min3A_171 : i32
      %get3A_173 = arith.index_cast %min3A_172 : i32 to index
      %get3A_174 = memref.load %arg2[%get3A_173] : memref<64xf32, #tpu.memory_space<smem>>
      %mul3A_175 = vector.broadcast %get3A_174 : f32 to vector<256x1xf32>
      %mul3A_176 = arith.mulf %convert_element_type3A_170, %mul3A_175 : vector<256x1xf32>
      %add3A_177 = arith.addf %add3A_154, %mul3A_176 : vector<256x1xf32>
      %eq3A_178 = vector.broadcast %select_n3A_168 : vector<256x1xi32> to vector<256x256xi32>
      %eq3A_179 = arith.cmpi eq, %eq3A_178, %select_n3A : vector<256x256xi32>
      %jit3A_180 = arith.constant 0.000000e+00 : f32
      %broadcast_in_dim3A_181 = vector.shape_cast %add3A_177 : vector<256x1xf32> to vector<256x1xf32>
      %broadcast_in_dim3A_182 = vector.broadcast %broadcast_in_dim3A_181 : vector<256x1xf32> to vector<256x256xf32>
      %broadcast_in_dim3A_183 = vector.broadcast %jit3A_180 : f32 to vector<256x256xf32>
      %select_n3A_184 = arith.select %eq3A_179, %broadcast_in_dim3A_182, %broadcast_in_dim3A_183 : vector<256x256xi1>, vector<256x256xf32>
      %integer_pow3A = arith.mulf %dot_general3A_22, %dot_general3A_22 : vector<256x256xf32>
      %integer_pow3A_185 = arith.mulf %dot_general3A_22, %integer_pow3A : vector<256x256xf32>
      %mul3A_186 = arith.constant 4.471500e-02 : f32
      %mul3A_187 = vector.broadcast %mul3A_186 : f32 to vector<256x256xf32>
      %mul3A_188 = arith.mulf %mul3A_187, %integer_pow3A_185 : vector<256x256xf32>
      %add3A_189 = arith.addf %dot_general3A_22, %mul3A_188 : vector<256x256xf32>
      %mul3A_190 = arith.constant 0.797884583 : f32
      %mul3A_191 = vector.broadcast %mul3A_190 : f32 to vector<256x256xf32>
      %mul3A_192 = arith.mulf %mul3A_191, %add3A_189 : vector<256x256xf32>
      %tanh3A = math.tanh %mul3A_192 : vector<256x256xf32>
      %add3A_193 = arith.constant 1.000000e+00 : f32
      %add3A_194 = vector.broadcast %add3A_193 : f32 to vector<256x256xf32>
      %add3A_195 = arith.addf %add3A_194, %tanh3A : vector<256x256xf32>
      %mul3A_196 = arith.constant 5.000000e-01 : f32
      %mul3A_197 = vector.broadcast %mul3A_196 : f32 to vector<256x256xf32>
      %mul3A_198 = arith.mulf %mul3A_197, %add3A_195 : vector<256x256xf32>
      %mul3A_199 = arith.mulf %dot_general3A_22, %mul3A_198 : vector<256x256xf32>
      %mul3A_200 = arith.mulf %mul3A_199, %dot_general3A_24 : vector<256x256xf32>
      %mul3A_201 = arith.mulf %mul3A_200, %select_n3A_184 : vector<256x256xf32>
      %get3A_202 = arith.constant 0 : index
      %get3A_203 = arith.constant 0 : index
      %get3A_204 = arith.constant 0 : index
      %get3A_205 = vector.load %arg5[%get3A_202, %get3A_203, %get3A_204] : memref<1x256x768xf32, #tpu.memory_space<vmem>>, vector<1x256x768xf32>
      %get3A_206 = vector.shape_cast %get3A_205 : vector<1x256x768xf32> to vector<256x768xf32>
      %dot_general3A_207 = arith.constant dense<0.000000e+00> : vector<256x768xf32>
      %dot_general3A_208 = tpu.matmul %mul3A_201, %get3A_206, %dot_general3A_207 {dimension_numbers = #tpu.dot_dimension_numbers<[1], [0], [0], [1], [0, 0, 1, 1], [], []>, transpose_lhs_hint = false} : vector<256x256xf32>, vector<256x768xf32>, vector<256x768xf32> -> vector<256x768xf32>
      %swap3A = arith.constant 0 : index
      %swap3A_209 = arith.constant 0 : index
      %swap3A_210 = vector.load %arg6[%swap3A, %swap3A_209] : memref<256x768xf32, #tpu.memory_space<vmem>>, vector<256x768xf32>
      tpu.vector_store %arg6[%swap3A, %swap3A_209], %dot_general3A_208 {strides = array<i32>} : memref<256x768xf32, #tpu.memory_space<vmem>>, vector<256x768xf32>,
    } else {
    }
    return
  }
  func.func @transform_0(%arg0: i32, %arg1: memref<2336xi32, #tpu.memory_space<smem>>, %arg2: memref<64xf32, #tpu.memory_space<smem>>) -> (i32, i32) {
    %add3A = arith.constant 2256 : i32
    %add3A_0 = arith.addi %add3A, %arg0 : i32
    %get3A = arith.index_cast %add3A_0 : i32 to index
    %get3A_1 = memref.load %arg1[%get3A] : memref<2336xi32, #tpu.memory_space<smem>>
    %c0_i32 = arith.constant 0 : i32
    %c0_i32_2 = arith.constant 0 : i32
    return %get3A_1, %c0_i32 : i32, i32
  }
  func.func @transform_1(%arg0: i32, %arg1: memref<2336xi32, #tpu.memory_space<smem>>, %arg2: memref<64xf32, #tpu.memory_space<smem>>) -> (i32, i32, i32, i32, i32) {
    %add3A = arith.constant 2216 : i32
    %add3A_0 = arith.addi %add3A, %arg0 : i32
    %get3A = arith.index_cast %add3A_0 : i32 to index
    %get3A_1 = memref.load %arg1[%get3A] : memref<2336xi32, #tpu.memory_space<smem>>
    %c0_i32 = arith.constant 0 : i32
    %c0_i32_2 = arith.constant 0 : i32
    %c0_i32_3 = arith.constant 0 : i32
    %c0_i32_4 = arith.constant 0 : i32
    %c0_i32_5 = arith.constant 0 : i32
    return %get3A_1, %c0_i32, %c0_i32_2, %c0_i32_3, %c0_i32_4 : i32, i32, i32, i32, i32
  }
  func.func @transform_2(%arg0: i32, %arg1: memref<2336xi32, #tpu.memory_space<smem>>, %arg2: memref<64xf32, #tpu.memory_space<smem>>) -> (i32, i32, i32) {
    %add3A = arith.constant 2216 : i32
    %add3A_0 = arith.addi %add3A, %arg0 : i32
    %get3A = arith.index_cast %add3A_0 : i32 to index
    %get3A_1 = memref.load %arg1[%get3A] : memref<2336xi32, #tpu.memory_space<smem>>
    %c0_i32 = arith.constant 0 : i32
    %c0_i32_2 = arith.constant 0 : i32
    %c0_i32_3 = arith.constant 0 : i32
    return %get3A_1, %c0_i32, %c0_i32_2 : i32, i32, i32
  }
  func.func @transform_3(%arg0: i32, %arg1: memref<2336xi32, #tpu.memory_space<smem>>, %arg2: memref<64xf32, #tpu.memory_space<smem>>) -> (i32, i32) {
    %add3A = arith.constant 2296 : i32
    %add3A_0 = arith.addi %add3A, %arg0 : i32
    %get3A = arith.index_cast %add3A_0 : i32 to index
    %get3A_1 = memref.load %arg1[%get3A] : memref<2336xi32, #tpu.memory_space<smem>>
    %c0_i32 = arith.constant 0 : i32
    %c0_i32_2 = arith.constant 0 : i32
    return %get3A_1, %c0_i32 : i32, i32
  }
}

module attributes {stable_mosaic.version = 14 : i64} {
  func.func @_route_meta_body(%arg0: i32, %arg1: memref<1024x768xf32, #tpu.memory_space<vmem>>, %arg2: memref<64x768xf32, #tpu.memory_space<vmem>>, %arg3: memref<768xf32, #tpu.memory_space<vmem>>, %arg4: memref<2336xi32, #tpu.memory_space<vmem>>, %arg5: memref<2048x1xi32, #tpu.memory_space<vmem>>, %arg6: memref<2048x1xf32, #tpu.memory_space<vmem>>, %arg7: memref<1x64xf32, #tpu.memory_space<vmem>>) attributes {dimension_semantics = [#tpu.dimension_semantics<arbitrary>], iteration_bounds = array<i64: 2>, scalar_prefetch = 0 : i64, scratch_operands = 3 : i64, tpu.core_type = #tpu.core_type<tc>, window_params = [{transform_indices = @transform_0, window_bounds = array<i64: 1024, 768>}, {pipeline_mode = #tpu.pipeline_mode<synchronous>, transform_indices = @transform_1, window_bounds = array<i64: 64, 768>}, {pipeline_mode = #tpu.pipeline_mode<synchronous>, transform_indices = @transform_2, window_bounds = array<i64: 768>}, {pipeline_mode = #tpu.pipeline_mode<synchronous>, transform_indices = @transform_3, window_bounds = array<i64: 2336>}]} {
    %get3A = arith.constant 0 : index
    %get3A_0 = arith.constant 0 : index
    %get3A_1 = vector.load %arg1[%get3A, %get3A_0] : memref<1024x768xf32, #tpu.memory_space<vmem>>, vector<1024x768xf32>
    %mul3A = arith.mulf %get3A_1, %get3A_1 : vector<1024x768xf32>
    %reduce_sum3A = arith.constant dense<0.000000e+00> : vector<1024xf32>
    %reduce_sum3A_2 = vector.multi_reduction <add>, %mul3A, %reduce_sum3A [1] : vector<1024x768xf32> to vector<1024xf32>
    %broadcast_in_dim3A = vector.shape_cast %reduce_sum3A_2 : vector<1024xf32> to vector<1024x1xf32>
    %div3A = arith.constant 7.680000e+02 : f32
    %div3A_3 = vector.broadcast %div3A : f32 to vector<1024x1xf32>
    %div3A_4 = arith.divf %broadcast_in_dim3A, %div3A_3 : vector<1024x1xf32>
    %add3A = arith.constant 9.99999997E-7 : f32
    %add3A_5 = vector.broadcast %add3A : f32 to vector<1024x1xf32>
    %add3A_6 = arith.addf %div3A_4, %add3A_5 : vector<1024x1xf32>
    %rsqrt3A = math.rsqrt %add3A_6 : vector<1024x1xf32>
    %mul3A_7 = vector.broadcast %rsqrt3A : vector<1024x1xf32> to vector<1024x768xf32>
    %mul3A_8 = arith.mulf %get3A_1, %mul3A_7 : vector<1024x768xf32>
    %rsqrt3A_9 = arith.constant 7.680000e+02 : f32
    %rsqrt3A_10 = math.rsqrt %rsqrt3A_9 : f32
    %mul3A_11 = vector.broadcast %rsqrt3A_10 : f32 to vector<1024x768xf32>
    %mul3A_12 = arith.mulf %mul3A_8, %mul3A_11 : vector<1024x768xf32>
    %get3A_13 = arith.constant 0 : index
    %get3A_14 = vector.load %arg3[%get3A_13] : memref<768xf32, #tpu.memory_space<vmem>>, vector<768xf32>
    %reshape3A = vector.shape_cast %get3A_14 : vector<768xf32> to vector<1x768xf32>
    %mul3A_15 = vector.broadcast %reshape3A : vector<1x768xf32> to vector<1024x768xf32>
    %mul3A_16 = arith.mulf %mul3A_12, %mul3A_15 : vector<1024x768xf32>
    %get3A_17 = arith.constant 0 : index
    %get3A_18 = arith.constant 0 : index
    %get3A_19 = vector.load %arg2[%get3A_17, %get3A_18] : memref<64x768xf32, #tpu.memory_space<vmem>>, vector<64x768xf32>
    %dot_general3A = arith.constant dense<0.000000e+00> : vector<1024x64xf32>
    %dot_general3A_20 = tpu.matmul %mul3A_16, %get3A_19, %dot_general3A {dimension_numbers = #tpu.dot_dimension_numbers<[1], [1], [0], [0], [0, 0, 1, 0], [], []>, transpose_lhs_hint = false} : vector<1024x768xf32>, vector<64x768xf32>, vector<1024x64xf32> -> vector<1024x64xf32>
    %reduce_max3A = arith.constant dense<0xFF800000> : vector<1024xf32>
    %reduce_max3A_21 = vector.multi_reduction <maximumf>, %dot_general3A_20, %reduce_max3A [1] : vector<1024x64xf32> to vector<1024xf32>
    %broadcast_in_dim3A_22 = vector.shape_cast %reduce_max3A_21 : vector<1024xf32> to vector<1024x1xf32>
    %iota3A = tpu.iota {dimensions = array<i32: 1>} : vector<1024x64xi32>
    %eq3A = vector.broadcast %broadcast_in_dim3A_22 : vector<1024x1xf32> to vector<1024x64xf32>
    %eq3A_23 = arith.cmpf oeq, %dot_general3A_20, %eq3A : vector<1024x64xf32>
    %jit3A = arith.constant 64 : i32
    %broadcast_in_dim3A_24 = vector.broadcast %jit3A : i32 to vector<1024x64xi32>
    %select_n3A = arith.select %eq3A_23, %iota3A, %broadcast_in_dim3A_24 : vector<1024x64xi1>, vector<1024x64xi32>
    %reduce_min3A = arith.constant dense<2147483647> : vector<1024xi32>
    %reduce_min3A_25 = vector.multi_reduction <minsi>, %select_n3A, %reduce_min3A [1] : vector<1024x64xi32> to vector<1024xi32>
    %broadcast_in_dim3A_26 = vector.shape_cast %reduce_min3A_25 : vector<1024xi32> to vector<1024x1xi32>
    %eq3A_27 = vector.broadcast %broadcast_in_dim3A_26 : vector<1024x1xi32> to vector<1024x64xi32>
    %eq3A_28 = arith.cmpi eq, %eq3A_27, %iota3A : vector<1024x64xi32>
    %convert_element_type3A = arith.extui %eq3A_28 : vector<1024x64xi1> to vector<1024x64xi32>
    %convert_element_type3A_29 = arith.sitofp %convert_element_type3A : vector<1024x64xi32> to vector<1024x64xf32>
    %iota3A_30 = tpu.iota {dimensions = array<i32: 0>} : vector<256x256xi32>
    %iota3A_31 = tpu.iota {dimensions = array<i32: 1>} : vector<256x256xi32>
    %lt3A = arith.cmpi slt, %iota3A_31, %iota3A_30 : vector<256x256xi32>
    %convert_element_type3A_32 = arith.extui %lt3A : vector<256x256xi1> to vector<256x256xi32>
    %convert_element_type3A_33 = arith.sitofp %convert_element_type3A_32 : vector<256x256xi32> to vector<256x256xf32>
    %eq3A_34 = arith.constant 0 : i32
    %eq3A_35 = arith.cmpi eq, %arg0, %eq3A_34 : i32
    %broadcast_in_dim3A_36 = arith.constant 0.000000e+00 : f32
    %broadcast_in_dim3A_37 = vector.broadcast %broadcast_in_dim3A_36 : f32 to vector<1x64xf32>
    %get3A_38 = arith.constant 0 : index
    %get3A_39 = arith.constant 0 : index
    %get3A_40 = vector.load %arg7[%get3A_38, %get3A_39] : memref<1x64xf32, #tpu.memory_space<vmem>>, vector<1x64xf32>
    %select_n3A_41 = arith.select %eq3A_35, %broadcast_in_dim3A_37, %get3A_40 : vector<1x64xf32>
    %slice3A = vector.extract_strided_slice %convert_element_type3A_29 {offsets = [0, 0], sizes = [256, 64], strides = [1, 1]} : vector<1024x64xf32> to vector<256x64xf32>
    %dot_general3A_42 = arith.constant dense<0.000000e+00> : vector<256x64xf32>
    %dot_general3A_43 = tpu.matmul %convert_element_type3A_33, %slice3A, %dot_general3A_42 {dimension_numbers = #tpu.dot_dimension_numbers<[1], [0], [0], [1], [0, 0, 1, 1], [], []>, transpose_lhs_hint = false} : vector<256x256xf32>, vector<256x64xf32>, vector<256x64xf32> -> vector<256x64xf32>
    %add3A_44 = vector.broadcast %select_n3A_41 : vector<1x64xf32> to vector<256x64xf32>
    %add3A_45 = arith.addf %dot_general3A_43, %add3A_44 : vector<256x64xf32>
    %mul3A_46 = arith.mulf %slice3A, %add3A_45 : vector<256x64xf32>
    %reduce_sum3A_47 = arith.constant dense<0.000000e+00> : vector<256xf32>
    %reduce_sum3A_48 = vector.multi_reduction <add>, %mul3A_46, %reduce_sum3A_47 [1] : vector<256x64xf32> to vector<256xf32>
    %broadcast_in_dim3A_49 = vector.shape_cast %reduce_sum3A_48 : vector<256xf32> to vector<256x1xf32>
    %reduce_sum3A_50 = arith.constant dense<0.000000e+00> : vector<64xf32>
    %reduce_sum3A_51 = vector.multi_reduction <add>, %slice3A, %reduce_sum3A_50 [0] : vector<256x64xf32> to vector<64xf32>
    %broadcast_in_dim3A_52 = vector.shape_cast %reduce_sum3A_51 : vector<64xf32> to vector<1x64xf32>
    %add3A_53 = arith.addf %select_n3A_41, %broadcast_in_dim3A_52 : vector<1x64xf32>
    %slice3A_54 = vector.extract_strided_slice %convert_element_type3A_29 {offsets = [256, 0], sizes = [256, 64], strides = [1, 1]} : vector<1024x64xf32> to vector<256x64xf32>
    %dot_general3A_55 = arith.constant dense<0.000000e+00> : vector<256x64xf32>
    %dot_general3A_56 = tpu.matmul %convert_element_type3A_33, %slice3A_54, %dot_general3A_55 {dimension_numbers = #tpu.dot_dimension_numbers<[1], [0], [0], [1], [0, 0, 1, 1], [], []>, transpose_lhs_hint = false} : vector<256x256xf32>, vector<256x64xf32>, vector<256x64xf32> -> vector<256x64xf32>
    %add3A_57 = vector.broadcast %add3A_53 : vector<1x64xf32> to vector<256x64xf32>
    %add3A_58 = arith.addf %dot_general3A_56, %add3A_57 : vector<256x64xf32>
    %mul3A_59 = arith.mulf %slice3A_54, %add3A_58 : vector<256x64xf32>
    %reduce_sum3A_60 = arith.constant dense<0.000000e+00> : vector<256xf32>
    %reduce_sum3A_61 = vector.multi_reduction <add>, %mul3A_59, %reduce_sum3A_60 [1] : vector<256x64xf32> to vector<256xf32>
    %broadcast_in_dim3A_62 = vector.shape_cast %reduce_sum3A_61 : vector<256xf32> to vector<256x1xf32>
    %reduce_sum3A_63 = arith.constant dense<0.000000e+00> : vector<64xf32>
    %reduce_sum3A_64 = vector.multi_reduction <add>, %slice3A_54, %reduce_sum3A_63 [0] : vector<256x64xf32> to vector<64xf32>
    %broadcast_in_dim3A_65 = vector.shape_cast %reduce_sum3A_64 : vector<64xf32> to vector<1x64xf32>
    %add3A_66 = arith.addf %add3A_53, %broadcast_in_dim3A_65 : vector<1x64xf32>
    %slice3A_67 = vector.extract_strided_slice %convert_element_type3A_29 {offsets = [512, 0], sizes = [256, 64], strides = [1, 1]} : vector<1024x64xf32> to vector<256x64xf32>
    %dot_general3A_68 = arith.constant dense<0.000000e+00> : vector<256x64xf32>
    %dot_general3A_69 = tpu.matmul %convert_element_type3A_33, %slice3A_67, %dot_general3A_68 {dimension_numbers = #tpu.dot_dimension_numbers<[1], [0], [0], [1], [0, 0, 1, 1], [], []>, transpose_lhs_hint = false} : vector<256x256xf32>, vector<256x64xf32>, vector<256x64xf32> -> vector<256x64xf32>
    %add3A_70 = vector.broadcast %add3A_66 : vector<1x64xf32> to vector<256x64xf32>
    %add3A_71 = arith.addf %dot_general3A_69, %add3A_70 : vector<256x64xf32>
    %mul3A_72 = arith.mulf %slice3A_67, %add3A_71 : vector<256x64xf32>
    %reduce_sum3A_73 = arith.constant dense<0.000000e+00> : vector<256xf32>
    %reduce_sum3A_74 = vector.multi_reduction <add>, %mul3A_72, %reduce_sum3A_73 [1] : vector<256x64xf32> to vector<256xf32>
    %broadcast_in_dim3A_75 = vector.shape_cast %reduce_sum3A_74 : vector<256xf32> to vector<256x1xf32>
    %reduce_sum3A_76 = arith.constant dense<0.000000e+00> : vector<64xf32>
    %reduce_sum3A_77 = vector.multi_reduction <add>, %slice3A_67, %reduce_sum3A_76 [0] : vector<256x64xf32> to vector<64xf32>
    %broadcast_in_dim3A_78 = vector.shape_cast %reduce_sum3A_77 : vector<64xf32> to vector<1x64xf32>
    %add3A_79 = arith.addf %add3A_66, %broadcast_in_dim3A_78 : vector<1x64xf32>
    %slice3A_80 = vector.extract_strided_slice %convert_element_type3A_29 {offsets = [768, 0], sizes = [256, 64], strides = [1, 1]} : vector<1024x64xf32> to vector<256x64xf32>
    %dot_general3A_81 = arith.constant dense<0.000000e+00> : vector<256x64xf32>
    %dot_general3A_82 = tpu.matmul %convert_element_type3A_33, %slice3A_80, %dot_general3A_81 {dimension_numbers = #tpu.dot_dimension_numbers<[1], [0], [0], [1], [0, 0, 1, 1], [], []>, transpose_lhs_hint = false} : vector<256x256xf32>, vector<256x64xf32>, vector<256x64xf32> -> vector<256x64xf32>
    %add3A_83 = vector.broadcast %add3A_79 : vector<1x64xf32> to vector<256x64xf32>
    %add3A_84 = arith.addf %dot_general3A_82, %add3A_83 : vector<256x64xf32>
    %mul3A_85 = arith.mulf %slice3A_80, %add3A_84 : vector<256x64xf32>
    %reduce_sum3A_86 = arith.constant dense<0.000000e+00> : vector<256xf32>
    %reduce_sum3A_87 = vector.multi_reduction <add>, %mul3A_85, %reduce_sum3A_86 [1] : vector<256x64xf32> to vector<256xf32>
    %broadcast_in_dim3A_88 = vector.shape_cast %reduce_sum3A_87 : vector<256xf32> to vector<256x1xf32>
    %reduce_sum3A_89 = arith.constant dense<0.000000e+00> : vector<64xf32>
    %reduce_sum3A_90 = vector.multi_reduction <add>, %slice3A_80, %reduce_sum3A_89 [0] : vector<256x64xf32> to vector<64xf32>
    %broadcast_in_dim3A_91 = vector.shape_cast %reduce_sum3A_90 : vector<64xf32> to vector<1x64xf32>
    %add3A_92 = arith.addf %add3A_79, %broadcast_in_dim3A_91 : vector<1x64xf32>
    %swap3A = arith.constant 0 : index
    %swap3A_93 = arith.constant 0 : index
    %swap3A_94 = vector.load %arg7[%swap3A, %swap3A_93] : memref<1x64xf32, #tpu.memory_space<vmem>>, vector<1x64xf32>
    tpu.vector_store %arg7[%swap3A, %swap3A_93], %add3A_92 {strides = array<i32>} : memref<1x64xf32, #tpu.memory_space<vmem>>, vector<1x64xf32>,
    %mul3A_95 = arith.constant 1024 : i32
    %mul3A_96 = arith.muli %arg0, %mul3A_95 : i32
    %swap3A_97 = arith.index_cast %mul3A_96 : i32 to index
    %swap3A_98 = arith.constant 0 : index
    %swap3A_99 = vector.load %arg5[%swap3A_97, %swap3A_98] : memref<2048x1xi32, #tpu.memory_space<vmem>>, vector<1024x1xi32>
    tpu.vector_store %arg5[%swap3A_97, %swap3A_98], %broadcast_in_dim3A_26 {strides = array<i32>} : memref<2048x1xi32, #tpu.memory_space<vmem>>, vector<1024x1xi32>,
    %concatenate3A = tpu.concatenate %broadcast_in_dim3A_49, %broadcast_in_dim3A_62, %broadcast_in_dim3A_75, %broadcast_in_dim3A_88 in 0 : vector<256x1xf32>, vector<256x1xf32>, vector<256x1xf32>, vector<256x1xf32> -> vector<1024x1xf32>
    %swap3A_100 = arith.index_cast %mul3A_96 : i32 to index
    %swap3A_101 = arith.constant 0 : index
    %swap3A_102 = vector.load %arg6[%swap3A_100, %swap3A_101] : memref<2048x1xf32, #tpu.memory_space<vmem>>, vector<1024x1xf32>
    tpu.vector_store %arg6[%swap3A_100, %swap3A_101], %concatenate3A {strides = array<i32>} : memref<2048x1xf32, #tpu.memory_space<vmem>>, vector<1024x1xf32>,
    %eq3A_103 = arith.constant 1 : i32
    %eq3A_104 = arith.cmpi eq, %arg0, %eq3A_103 : i32
    %convert_element_type3A_105 = arith.extui %eq3A_104 : i1 to i32
    %cond3A = arith.constant 0 : i32
    %cond3A_106 = arith.cmpi ne, %convert_element_type3A_105, %cond3A : i32
    scf.if %cond3A_106 {
      %get3A_107 = arith.constant 0 : index
      %get3A_108 = arith.constant 0 : index
      %get3A_109 = vector.load %arg7[%get3A_107, %get3A_108] : memref<1x64xf32, #tpu.memory_space<vmem>>, vector<1x64xf32>
      %iota3A_110 = tpu.iota {dimensions = array<i32: 1>} : vector<2048x64xi32>
      %get3A_111 = arith.constant 0 : index
      %get3A_112 = arith.constant 0 : index
      %get3A_113 = vector.load %arg5[%get3A_111, %get3A_112] : memref<2048x1xi32, #tpu.memory_space<vmem>>, vector<2048x1xi32>
      %eq3A_114 = vector.broadcast %get3A_113 : vector<2048x1xi32> to vector<2048x64xi32>
      %eq3A_115 = arith.cmpi eq, %eq3A_114, %iota3A_110 : vector<2048x64xi32>
      %convert_element_type3A_116 = arith.extui %eq3A_115 : vector<2048x64xi1> to vector<2048x64xi32>
      %convert_element_type3A_117 = arith.sitofp %convert_element_type3A_116 : vector<2048x64xi32> to vector<2048x64xf32>
      %get3A_118 = arith.constant 0 : index
      %get3A_119 = arith.constant 0 : index
      %get3A_120 = vector.load %arg6[%get3A_118, %get3A_119] : memref<2048x1xf32, #tpu.memory_space<vmem>>, vector<2048x1xf32>
      %add3A_121 = arith.constant 6.300000e+01 : f32
      %add3A_122 = vector.broadcast %add3A_121 : f32 to vector<1x64xf32>
      %add3A_123 = arith.addf %get3A_109, %add3A_122 : vector<1x64xf32>
      %mul3A_124 = arith.constant 1.562500e-02 : f32
      %mul3A_125 = vector.broadcast %mul3A_124 : f32 to vector<1x64xf32>
      %mul3A_126 = arith.mulf %add3A_123, %mul3A_125 : vector<1x64xf32>
      %floor3A = math.floor %mul3A_126 : vector<1x64xf32>
      %mul3A_127 = arith.constant 6.400000e+01 : f32
      %mul3A_128 = vector.broadcast %mul3A_127 : f32 to vector<1x64xf32>
      %mul3A_129 = arith.mulf %floor3A, %mul3A_128 : vector<1x64xf32>
      %iota3A_130 = tpu.iota {dimensions = array<i32: 0>} : vector<64x64xi32>
      %iota3A_131 = tpu.iota {dimensions = array<i32: 1>} : vector<64x64xi32>
      %lt3A_132 = arith.cmpi slt, %iota3A_130, %iota3A_131 : vector<64x64xi32>
      %jit3A_133 = arith.constant 4 : i32
      %div3A_134 = vector.broadcast %jit3A_133 : i32 to vector<64x64xi32>
      %div3A_135 = arith.divsi %iota3A_130, %div3A_134 : vector<64x64xi32>
      %sign3A = arith.constant 0 : i32
      %sign3A_136 = vector.broadcast %sign3A : i32 to vector<64x64xi32>
      %sign3A_137 = arith.cmpi sgt, %iota3A_130, %sign3A_136 : vector<64x64xi32>
      %sign3A_138 = arith.extui %sign3A_137 : vector<64x64xi1> to vector<64x64xi32>
      %sign3A_139 = arith.constant 0 : i32
      %sign3A_140 = vector.broadcast %sign3A_139 : i32 to vector<64x64xi32>
      %sign3A_141 = arith.cmpi slt, %iota3A_130, %sign3A_140 : vector<64x64xi32>
      %sign3A_142 = arith.extui %sign3A_141 : vector<64x64xi1> to vector<64x64xi32>
      %sign3A_143 = arith.subi %sign3A_138, %sign3A_142 : vector<64x64xi32>
      %sign3A_144 = arith.constant 0 : i32
      %sign3A_145 = arith.cmpi sgt, %jit3A_133, %sign3A_144 : i32
      %sign3A_146 = arith.extui %sign3A_145 : i1 to i32
      %sign3A_147 = arith.constant 0 : i32
      %sign3A_148 = arith.cmpi slt, %jit3A_133, %sign3A_147 : i32
      %sign3A_149 = arith.extui %sign3A_148 : i1 to i32
      %sign3A_150 = arith.subi %sign3A_146, %sign3A_149 : i32
      %ne3A = vector.broadcast %sign3A_150 : i32 to vector<64x64xi32>
      %ne3A_151 = arith.cmpi ne, %sign3A_143, %ne3A : vector<64x64xi32>
      %rem3A = vector.broadcast %jit3A_133 : i32 to vector<64x64xi32>
      %rem3A_152 = arith.remsi %iota3A_130, %rem3A : vector<64x64xi32>
      %ne3A_153 = arith.constant 0 : i32
      %ne3A_154 = vector.broadcast %ne3A_153 : i32 to vector<64x64xi32>
      %ne3A_155 = arith.cmpi ne, %rem3A_152, %ne3A_154 : vector<64x64xi32>
      %and3A = arith.andi %ne3A_151, %ne3A_155 : vector<64x64xi1>
      %sub3A = arith.constant 1 : i32
      %sub3A_156 = vector.broadcast %sub3A : i32 to vector<64x64xi32>
      %sub3A_157 = arith.subi %div3A_135, %sub3A_156 : vector<64x64xi32>
      %select_n3A_158 = arith.select %and3A, %sub3A_157, %div3A_135 : vector<64x64xi1>, vector<64x64xi32>
      %jit3A_159 = arith.constant 4 : i32
      %div3A_160 = vector.broadcast %jit3A_159 : i32 to vector<64x64xi32>
      %div3A_161 = arith.divsi %iota3A_131, %div3A_160 : vector<64x64xi32>
      %sign3A_162 = arith.constant 0 : i32
      %sign3A_163 = vector.broadcast %sign3A_162 : i32 to vector<64x64xi32>
      %sign3A_164 = arith.cmpi sgt, %iota3A_131, %sign3A_163 : vector<64x64xi32>
      %sign3A_165 = arith.extui %sign3A_164 : vector<64x64xi1> to vector<64x64xi32>
      %sign3A_166 = arith.constant 0 : i32
      %sign3A_167 = vector.broadcast %sign3A_166 : i32 to vector<64x64xi32>
      %sign3A_168 = arith.cmpi slt, %iota3A_131, %sign3A_167 : vector<64x64xi32>
      %sign3A_169 = arith.extui %sign3A_168 : vector<64x64xi1> to vector<64x64xi32>
      %sign3A_170 = arith.subi %sign3A_165, %sign3A_169 : vector<64x64xi32>
      %sign3A_171 = arith.constant 0 : i32
      %sign3A_172 = arith.cmpi sgt, %jit3A_159, %sign3A_171 : i32
      %sign3A_173 = arith.extui %sign3A_172 : i1 to i32
      %sign3A_174 = arith.constant 0 : i32
      %sign3A_175 = arith.cmpi slt, %jit3A_159, %sign3A_174 : i32
      %sign3A_176 = arith.extui %sign3A_175 : i1 to i32
      %sign3A_177 = arith.subi %sign3A_173, %sign3A_176 : i32
      %ne3A_178 = vector.broadcast %sign3A_177 : i32 to vector<64x64xi32>
      %ne3A_179 = arith.cmpi ne, %sign3A_170, %ne3A_178 : vector<64x64xi32>
      %rem3A_180 = vector.broadcast %jit3A_159 : i32 to vector<64x64xi32>
      %rem3A_181 = arith.remsi %iota3A_131, %rem3A_180 : vector<64x64xi32>
      %ne3A_182 = arith.constant 0 : i32
      %ne3A_183 = vector.broadcast %ne3A_182 : i32 to vector<64x64xi32>
      %ne3A_184 = arith.cmpi ne, %rem3A_181, %ne3A_183 : vector<64x64xi32>
      %and3A_185 = arith.andi %ne3A_179, %ne3A_184 : vector<64x64xi1>
      %sub3A_186 = arith.constant 1 : i32
      %sub3A_187 = vector.broadcast %sub3A_186 : i32 to vector<64x64xi32>
      %sub3A_188 = arith.subi %div3A_161, %sub3A_187 : vector<64x64xi32>
      %select_n3A_189 = arith.select %and3A_185, %sub3A_188, %div3A_161 : vector<64x64xi1>, vector<64x64xi32>
      %eq3A_190 = arith.cmpi eq, %select_n3A_158, %select_n3A_189 : vector<64x64xi32>
      %and3A_191 = arith.andi %lt3A_132, %eq3A_190 : vector<64x64xi1>
      %convert_element_type3A_192 = arith.extui %and3A_191 : vector<64x64xi1> to vector<64x64xi32>
      %convert_element_type3A_193 = arith.sitofp %convert_element_type3A_192 : vector<64x64xi32> to vector<64x64xf32>
      %dot_general3A_194 = arith.constant dense<0.000000e+00> : vector<1x64xf32>
      %dot_general3A_195 = tpu.matmul %mul3A_129, %convert_element_type3A_193, %dot_general3A_194 {dimension_numbers = #tpu.dot_dimension_numbers<[1], [0], [0], [1], [0, 0, 1, 1], [], []>, transpose_lhs_hint = false} : vector<1x64xf32>, vector<64x64xf32>, vector<1x64xf32> -> vector<1x64xf32>
      %iota3A_196 = tpu.iota {dimensions = array<i32: 0>} : vector<64x16xi32>
      %jit3A_197 = arith.constant 4 : i32
      %div3A_198 = vector.broadcast %jit3A_197 : i32 to vector<64x16xi32>
      %div3A_199 = arith.divsi %iota3A_196, %div3A_198 : vector<64x16xi32>
      %sign3A_200 = arith.constant 0 : i32
      %sign3A_201 = vector.broadcast %sign3A_200 : i32 to vector<64x16xi32>
      %sign3A_202 = arith.cmpi sgt, %iota3A_196, %sign3A_201 : vector<64x16xi32>
      %sign3A_203 = arith.extui %sign3A_202 : vector<64x16xi1> to vector<64x16xi32>
      %sign3A_204 = arith.constant 0 : i32
      %sign3A_205 = vector.broadcast %sign3A_204 : i32 to vector<64x16xi32>
      %sign3A_206 = arith.cmpi slt, %iota3A_196, %sign3A_205 : vector<64x16xi32>
      %sign3A_207 = arith.extui %sign3A_206 : vector<64x16xi1> to vector<64x16xi32>
      %sign3A_208 = arith.subi %sign3A_203, %sign3A_207 : vector<64x16xi32>
      %sign3A_209 = arith.constant 0 : i32
      %sign3A_210 = arith.cmpi sgt, %jit3A_197, %sign3A_209 : i32
      %sign3A_211 = arith.extui %sign3A_210 : i1 to i32
      %sign3A_212 = arith.constant 0 : i32
      %sign3A_213 = arith.cmpi slt, %jit3A_197, %sign3A_212 : i32
      %sign3A_214 = arith.extui %sign3A_213 : i1 to i32
      %sign3A_215 = arith.subi %sign3A_211, %sign3A_214 : i32
      %ne3A_216 = vector.broadcast %sign3A_215 : i32 to vector<64x16xi32>
      %ne3A_217 = arith.cmpi ne, %sign3A_208, %ne3A_216 : vector<64x16xi32>
      %rem3A_218 = vector.broadcast %jit3A_197 : i32 to vector<64x16xi32>
      %rem3A_219 = arith.remsi %iota3A_196, %rem3A_218 : vector<64x16xi32>
      %ne3A_220 = arith.constant 0 : i32
      %ne3A_221 = vector.broadcast %ne3A_220 : i32 to vector<64x16xi32>
      %ne3A_222 = arith.cmpi ne, %rem3A_219, %ne3A_221 : vector<64x16xi32>
      %and3A_223 = arith.andi %ne3A_217, %ne3A_222 : vector<64x16xi1>
      %sub3A_224 = arith.constant 1 : i32
      %sub3A_225 = vector.broadcast %sub3A_224 : i32 to vector<64x16xi32>
      %sub3A_226 = arith.subi %div3A_199, %sub3A_225 : vector<64x16xi32>
      %select_n3A_227 = arith.select %and3A_223, %sub3A_226, %div3A_199 : vector<64x16xi1>, vector<64x16xi32>
      %iota3A_228 = tpu.iota {dimensions = array<i32: 1>} : vector<64x16xi32>
      %eq3A_229 = arith.cmpi eq, %select_n3A_227, %iota3A_228 : vector<64x16xi32>
      %convert_element_type3A_230 = arith.extui %eq3A_229 : vector<64x16xi1> to vector<64x16xi32>
      %convert_element_type3A_231 = arith.sitofp %convert_element_type3A_230 : vector<64x16xi32> to vector<64x16xf32>
      %dot_general3A_232 = arith.constant dense<0.000000e+00> : vector<1x16xf32>
      %dot_general3A_233 = tpu.matmul %mul3A_129, %convert_element_type3A_231, %dot_general3A_232 {dimension_numbers = #tpu.dot_dimension_numbers<[1], [0], [0], [1], [0, 0, 1, 1], [], []>, transpose_lhs_hint = false} : vector<1x64xf32>, vector<64x16xf32>, vector<1x16xf32> -> vector<1x16xf32>
      %add3A_234 = arith.constant 2.550000e+02 : f32
      %add3A_235 = vector.broadcast %add3A_234 : f32 to vector<1x16xf32>
      %add3A_236 = arith.addf %dot_general3A_233, %add3A_235 : vector<1x16xf32>
      %mul3A_237 = arith.constant 3.906250e-03 : f32
      %mul3A_238 = vector.broadcast %mul3A_237 : f32 to vector<1x16xf32>
      %mul3A_239 = arith.mulf %add3A_236, %mul3A_238 : vector<1x16xf32>
      %floor3A_240 = math.floor %mul3A_239 : vector<1x16xf32>
      %mul3A_241 = arith.constant 2.560000e+02 : f32
      %mul3A_242 = vector.broadcast %mul3A_241 : f32 to vector<1x16xf32>
      %mul3A_243 = arith.mulf %floor3A_240, %mul3A_242 : vector<1x16xf32>
      %iota3A_244 = tpu.iota {dimensions = array<i32: 0>} : vector<16x16xi32>
      %iota3A_245 = tpu.iota {dimensions = array<i32: 1>} : vector<16x16xi32>
      %lt3A_246 = arith.cmpi slt, %iota3A_244, %iota3A_245 : vector<16x16xi32>
      %convert_element_type3A_247 = arith.extui %lt3A_246 : vector<16x16xi1> to vector<16x16xi32>
      %convert_element_type3A_248 = arith.sitofp %convert_element_type3A_247 : vector<16x16xi32> to vector<16x16xf32>
      %dot_general3A_249 = arith.constant dense<0.000000e+00> : vector<1x16xf32>
      %dot_general3A_250 = tpu.matmul %mul3A_243, %convert_element_type3A_248, %dot_general3A_249 {dimension_numbers = #tpu.dot_dimension_numbers<[1], [0], [0], [1], [0, 0, 1, 1], [], []>, transpose_lhs_hint = false} : vector<1x16xf32>, vector<16x16xf32>, vector<1x16xf32> -> vector<1x16xf32>
      %iota3A_251 = tpu.iota {dimensions = array<i32: 0>} : vector<16x64xi32>
      %iota3A_252 = tpu.iota {dimensions = array<i32: 1>} : vector<16x64xi32>
      %jit3A_253 = arith.constant 4 : i32
      %div3A_254 = vector.broadcast %jit3A_253 : i32 to vector<16x64xi32>
      %div3A_255 = arith.divsi %iota3A_252, %div3A_254 : vector<16x64xi32>
      %sign3A_256 = arith.constant 0 : i32
      %sign3A_257 = vector.broadcast %sign3A_256 : i32 to vector<16x64xi32>
      %sign3A_258 = arith.cmpi sgt, %iota3A_252, %sign3A_257 : vector<16x64xi32>
      %sign3A_259 = arith.extui %sign3A_258 : vector<16x64xi1> to vector<16x64xi32>
      %sign3A_260 = arith.constant 0 : i32
      %sign3A_261 = vector.broadcast %sign3A_260 : i32 to vector<16x64xi32>
      %sign3A_262 = arith.cmpi slt, %iota3A_252, %sign3A_261 : vector<16x64xi32>
      %sign3A_263 = arith.extui %sign3A_262 : vector<16x64xi1> to vector<16x64xi32>
      %sign3A_264 = arith.subi %sign3A_259, %sign3A_263 : vector<16x64xi32>
      %sign3A_265 = arith.constant 0 : i32
      %sign3A_266 = arith.cmpi sgt, %jit3A_253, %sign3A_265 : i32
      %sign3A_267 = arith.extui %sign3A_266 : i1 to i32
      %sign3A_268 = arith.constant 0 : i32
      %sign3A_269 = arith.cmpi slt, %jit3A_253, %sign3A_268 : i32
      %sign3A_270 = arith.extui %sign3A_269 : i1 to i32
      %sign3A_271 = arith.subi %sign3A_267, %sign3A_270 : i32
      %ne3A_272 = vector.broadcast %sign3A_271 : i32 to vector<16x64xi32>
      %ne3A_273 = arith.cmpi ne, %sign3A_264, %ne3A_272 : vector<16x64xi32>
      %rem3A_274 = vector.broadcast %jit3A_253 : i32 to vector<16x64xi32>
      %rem3A_275 = arith.remsi %iota3A_252, %rem3A_274 : vector<16x64xi32>
      %ne3A_276 = arith.constant 0 : i32
      %ne3A_277 = vector.broadcast %ne3A_276 : i32 to vector<16x64xi32>
      %ne3A_278 = arith.cmpi ne, %rem3A_275, %ne3A_277 : vector<16x64xi32>
      %and3A_279 = arith.andi %ne3A_273, %ne3A_278 : vector<16x64xi1>
      %sub3A_280 = arith.constant 1 : i32
      %sub3A_281 = vector.broadcast %sub3A_280 : i32 to vector<16x64xi32>
      %sub3A_282 = arith.subi %div3A_255, %sub3A_281 : vector<16x64xi32>
      %select_n3A_283 = arith.select %and3A_279, %sub3A_282, %div3A_255 : vector<16x64xi1>, vector<16x64xi32>
      %eq3A_284 = arith.cmpi eq, %iota3A_251, %select_n3A_283 : vector<16x64xi32>
      %convert_element_type3A_285 = arith.extui %eq3A_284 : vector<16x64xi1> to vector<16x64xi32>
      %convert_element_type3A_286 = arith.sitofp %convert_element_type3A_285 : vector<16x64xi32> to vector<16x64xf32>
      %dot_general3A_287 = arith.constant dense<0.000000e+00> : vector<1x64xf32>
      %dot_general3A_288 = tpu.matmul %dot_general3A_250, %convert_element_type3A_286, %dot_general3A_287 {dimension_numbers = #tpu.dot_dimension_numbers<[1], [0], [0], [1], [0, 0, 1, 1], [], []>, transpose_lhs_hint = false} : vector<1x16xf32>, vector<16x64xf32>, vector<1x64xf32> -> vector<1x64xf32>
      %add3A_289 = arith.addf %dot_general3A_288, %dot_general3A_195 : vector<1x64xf32>
      %add3A_290 = arith.addf %add3A_289, %mul3A_129 : vector<1x64xf32>
      %reduce_sum3A_291 = arith.constant dense<0.000000e+00> : vector<1xf32>
      %reduce_sum3A_292 = vector.multi_reduction <add>, %mul3A_243, %reduce_sum3A_291 [1] : vector<1x16xf32> to vector<1xf32>
      %broadcast_in_dim3A_293 = vector.shape_cast %reduce_sum3A_292 : vector<1xf32> to vector<1x1xf32>
      %mul3A_294 = vector.broadcast %add3A_289 : vector<1x64xf32> to vector<2048x64xf32>
      %mul3A_295 = arith.mulf %convert_element_type3A_117, %mul3A_294 : vector<2048x64xf32>
      %reduce_sum3A_296 = arith.constant dense<0.000000e+00> : vector<2048xf32>
      %reduce_sum3A_297 = vector.multi_reduction <add>, %mul3A_295, %reduce_sum3A_296 [1] : vector<2048x64xf32> to vector<2048xf32>
      %broadcast_in_dim3A_298 = vector.shape_cast %reduce_sum3A_297 : vector<2048xf32> to vector<2048x1xf32>
      %add3A_299 = arith.addf %broadcast_in_dim3A_298, %get3A_120 : vector<2048x1xf32>
      %convert_element_type3A_300 = arith.fptosi %add3A_299 : vector<2048x1xf32> to vector<2048x1xi32>
      %reshape3A_301 = vector.shape_cast %convert_element_type3A_300 : vector<2048x1xi32> to vector<2048xi32>
      %swap3A_302 = arith.constant 0 : index
      %swap3A_303 = vector.load %arg4[%swap3A_302] : memref<2336xi32, #tpu.memory_space<vmem>>, vector<2048xi32>
      tpu.vector_store %arg4[%swap3A_302], %reshape3A_301 {strides = array<i32>} : memref<2336xi32, #tpu.memory_space<vmem>>, vector<2048xi32>,
      %iota3A_304 = tpu.iota {dimensions = array<i32: 0>} : vector<168x1xi32>
      %convert_element_type3A_305 = arith.sitofp %iota3A_304 : vector<168x1xi32> to vector<168x1xf32>
      %mul3A_306 = arith.constant 6.400000e+01 : f32
      %mul3A_307 = vector.broadcast %mul3A_306 : f32 to vector<168x1xf32>
      %mul3A_308 = arith.mulf %convert_element_type3A_305, %mul3A_307 : vector<168x1xf32>
      %le3A = vector.broadcast %add3A_290 : vector<1x64xf32> to vector<168x64xf32>
      %le3A_309 = vector.broadcast %mul3A_308 : vector<168x1xf32> to vector<168x64xf32>
      %le3A_310 = arith.cmpf ole, %le3A, %le3A_309 : vector<168x64xf32>
      %convert_element_type3A_311 = arith.extui %le3A_310 : vector<168x64xi1> to vector<168x64xi32>
      %convert_element_type3A_312 = arith.sitofp %convert_element_type3A_311 : vector<168x64xi32> to vector<168x64xf32>
      %reduce_sum3A_313 = arith.constant dense<0.000000e+00> : vector<168xf32>
      %reduce_sum3A_314 = vector.multi_reduction <add>, %convert_element_type3A_312, %reduce_sum3A_313 [1] : vector<168x64xf32> to vector<168xf32>
      %broadcast_in_dim3A_315 = vector.shape_cast %reduce_sum3A_314 : vector<168xf32> to vector<168x1xf32>
      %convert_element_type3A_316 = arith.fptosi %broadcast_in_dim3A_315 : vector<168x1xf32> to vector<168x1xi32>
      %reshape3A_317 = vector.shape_cast %convert_element_type3A_316 : vector<168x1xi32> to vector<168xi32>
      %swap3A_318 = arith.constant 2048 : index
      %swap3A_319 = vector.load %arg4[%swap3A_318] : memref<2336xi32, #tpu.memory_space<vmem>>, vector<168xi32>
      tpu.vector_store %arg4[%swap3A_318], %reshape3A_317 {strides = array<i32>} : memref<2336xi32, #tpu.memory_space<vmem>>, vector<168xi32>,
      %iota3A_320 = tpu.iota {dimensions = array<i32: 0>} : vector<40x1xi32>
      %convert_element_type3A_321 = arith.sitofp %iota3A_320 : vector<40x1xi32> to vector<40x1xf32>
      %mul3A_322 = arith.constant 2.560000e+02 : f32
      %mul3A_323 = vector.broadcast %mul3A_322 : f32 to vector<40x1xf32>
      %mul3A_324 = arith.mulf %convert_element_type3A_321, %mul3A_323 : vector<40x1xf32>
      %sub3A_325 = arith.constant 2.560000e+02 : f32
      %sub3A_326 = vector.broadcast %sub3A_325 : f32 to vector<1x1xf32>
      %sub3A_327 = arith.subf %broadcast_in_dim3A_293, %sub3A_326 : vector<1x1xf32>
      %min3A = vector.broadcast %sub3A_327 : vector<1x1xf32> to vector<40x1xf32>
      %min3A_328 = arith.minimumf %mul3A_324, %min3A : vector<40x1xf32>
      %add3A_329 = arith.addf %dot_general3A_250, %mul3A_243 : vector<1x16xf32>
      %le3A_330 = vector.broadcast %add3A_329 : vector<1x16xf32> to vector<40x16xf32>
      %le3A_331 = vector.broadcast %min3A_328 : vector<40x1xf32> to vector<40x16xf32>
      %le3A_332 = arith.cmpf ole, %le3A_330, %le3A_331 : vector<40x16xf32>
      %convert_element_type3A_333 = arith.extui %le3A_332 : vector<40x16xi1> to vector<40x16xi32>
      %convert_element_type3A_334 = arith.sitofp %convert_element_type3A_333 : vector<40x16xi32> to vector<40x16xf32>
      %reduce_sum3A_335 = arith.constant dense<0.000000e+00> : vector<40xf32>
      %reduce_sum3A_336 = vector.multi_reduction <add>, %convert_element_type3A_334, %reduce_sum3A_335 [1] : vector<40x16xf32> to vector<40xf32>
      %broadcast_in_dim3A_337 = vector.shape_cast %reduce_sum3A_336 : vector<40xf32> to vector<40x1xf32>
      %convert_element_type3A_338 = arith.fptosi %broadcast_in_dim3A_337 : vector<40x1xf32> to vector<40x1xi32>
      %reshape3A_339 = vector.shape_cast %convert_element_type3A_338 : vector<40x1xi32> to vector<40xi32>
      %swap3A_340 = arith.constant 2216 : index
      %swap3A_341 = vector.load %arg4[%swap3A_340] : memref<2336xi32, #tpu.memory_space<vmem>>, vector<40xi32>
      tpu.vector_store %arg4[%swap3A_340], %reshape3A_339 {strides = array<i32>} : memref<2336xi32, #tpu.memory_space<vmem>>, vector<40xi32>,
      %mul3A_342 = arith.constant 3.906250e-03 : f32
      %mul3A_343 = vector.broadcast %mul3A_342 : f32 to vector<1x1xf32>
      %mul3A_344 = arith.mulf %broadcast_in_dim3A_293, %mul3A_343 : vector<1x1xf32>
      %sub3A_345 = arith.constant 1.000000e+00 : f32
      %sub3A_346 = vector.broadcast %sub3A_345 : f32 to vector<1x1xf32>
      %sub3A_347 = arith.subf %mul3A_344, %sub3A_346 : vector<1x1xf32>
      %min3A_348 = vector.broadcast %sub3A_347 : vector<1x1xf32> to vector<40x1xf32>
      %min3A_349 = arith.minimumf %convert_element_type3A_321, %min3A_348 : vector<40x1xf32>
      %convert_element_type3A_350 = arith.fptosi %min3A_349 : vector<40x1xf32> to vector<40x1xi32>
      %reshape3A_351 = vector.shape_cast %convert_element_type3A_350 : vector<40x1xi32> to vector<40xi32>
      %swap3A_352 = arith.constant 2256 : index
      %swap3A_353 = vector.load %arg4[%swap3A_352] : memref<2336xi32, #tpu.memory_space<vmem>>, vector<40xi32>
      tpu.vector_store %arg4[%swap3A_352], %reshape3A_351 {strides = array<i32>} : memref<2336xi32, #tpu.memory_space<vmem>>, vector<40xi32>,
      %lt3A_354 = vector.broadcast %mul3A_344 : vector<1x1xf32> to vector<40x1xf32>
      %lt3A_355 = arith.cmpf olt, %convert_element_type3A_321, %lt3A_354 : vector<40x1xf32>
      %jit3A_356 = arith.constant 4.000000e+01 : f32
      %broadcast_in_dim3A_357 = vector.broadcast %jit3A_356 : f32 to vector<40x1xf32>
      %select_n3A_358 = arith.select %lt3A_355, %convert_element_type3A_321, %broadcast_in_dim3A_357 : vector<40x1xi1>, vector<40x1xf32>
      %convert_element_type3A_359 = arith.fptosi %select_n3A_358 : vector<40x1xf32> to vector<40x1xi32>
      %reshape3A_360 = vector.shape_cast %convert_element_type3A_359 : vector<40x1xi32> to vector<40xi32>
      %swap3A_361 = arith.constant 2296 : index
      %swap3A_362 = vector.load %arg4[%swap3A_361] : memref<2336xi32, #tpu.memory_space<vmem>>, vector<40xi32>
      tpu.vector_store %arg4[%swap3A_361], %reshape3A_360 {strides = array<i32>} : memref<2336xi32, #tpu.memory_space<vmem>>, vector<40xi32>,
    } else {
    }
    return
  }
  func.func @transform_0(%arg0: i32) -> (i32, i32) {
    %c0_i32 = arith.constant 0 : i32
    %c0_i32_0 = arith.constant 0 : i32
    return %arg0, %c0_i32 : i32, i32
  }
  func.func @transform_1(%arg0: i32) -> (i32, i32) {
    %c0_i32 = arith.constant 0 : i32
    %c0_i32_0 = arith.constant 0 : i32
    %c0_i32_1 = arith.constant 0 : i32
    return %c0_i32, %c0_i32_0 : i32, i32
  }
  func.func @transform_2(%arg0: i32) -> i32 {
    %c0_i32 = arith.constant 0 : i32
    %c0_i32_0 = arith.constant 0 : i32
    return %c0_i32 : i32
  }
  func.func @transform_3(%arg0: i32) -> i32 {
    %c0_i32 = arith.constant 0 : i32
    %c0_i32_0 = arith.constant 0 : i32
    return %c0_i32 : i32
  }
}

</mosaic_0001>

<sc_bundles>
// kernel: kernel.6.cloned.1.call-start
scs
__scs_entry_jumppad:
0x0: {  	(pc) =	sbr.rel $0x88, $3  }
0x1: {  	(tag) =	ssettag $0x0;
	lr =	simm.s32 $0x1  }
0x2: {  	[smem:$0x3F9B] =	sst lr;
	_ =	strace $0xD0000000  }
0x3: {  	_ = 	snop  }
0x4: {  	_ = 	snop  }
0x5: {  	_ = 	snop  }
0x6: {  	_ = 	snop  }
0x7: {  	_ = 	snop  }
__scs_overlays_trampoline_lowered:
0x8: {  	[smem:$0x3FAA] =	sst s0  }
0x9: {  	[smem:$0x3FAB] =	sst s1  }
0xa: {  	[smem:$0x3FAC] =	sst s2  }
0xb: {  	[smem:$0x3FAD] =	sst s3  }
0xc: {  	[smem:$0x3FAE] =	sst s4  }
0xd: {  	[smem:$0x3FAF] =	sst s5  }
0xe: {  	[smem:$0x3FB0] =	sst s6  }
0xf: {  	[smem:$0x3FB1] =	sst s7  }
0x10: {  	[smem:$0x3FB2] =	sst s8  }
0x11: {  	[smem:$0x3FB3] =	sst s9;
	s0 =	simm.s32 @!p0 $0x0  }
0x12: {  	s1 =	sld [smem:$0x3F99];
	s0 =	simm.s32 @p0 $0x1  }
0x13: {  	[smem:$0x3FB4] =	sst s0;
	s0 =	simm.s32 @!p1 $0x0  }
0x14: {  	s2 =	sld [smem:$0x3F98];
	s0 =	simm.s32 @p1 $0x1  }
0x15: {  	[smem:$0x3FB5] =	sst s0;
	s0 =	simm.s32 @!p2 $0x0  }
0x16: {  	s3 =	sld [smem:$0x3FDB];
	s0 =	simm.s32 @p2 $0x1  }
0x17: {  	s4 =	simm.s32 $0x1BF5;
	[smem:$0x3FB7] =	sst s0  }
0x18: {  	s0 =	sld [smem:$0x3F9A];
	_ =	swait.ge [sflag:s4], $0x0  }
0x19: {  	s7 =	sld [smem:$0x3F9B]  }
0x1a: {  	s8 =	sadd.s32 $0xFFFFE003, lr  }
0x1b: {  	s9 =	sadd.s32 $0xFFFFFEF7, lr;
	s5 =	simm.s32 $0xFFFFFFFF;
	p2 =	slt.u32 s8, $0xFFFFF086  }
0x1c: {  	p1 =	slt.u32 s9, $0xF7A;
	s5 =	simm.s32 @!p2 $0x0  }
0x1d: {  	s5 =	simm.s32 @p1 $0x1;
	p0 =	seq.s32 s7, s2  }
0x1e: {  	s7 =	smul.u32 @!p0 $0xF7A, s2;
	p2 =	seq.s32 @!p0 s5, $0x0  }
0x1f: {  	s9 =	smul.u32 $0xF7A, s1;
	s8 =	simm.s32 @!p0 $0x1BF5;
	p2 =	por !p2, p0  }
0x20: {  	[sflag:s8] =	ssyncset.s32 @!p0 $0xFFFFF086;
	s6 =	sadd.s32 @!p0 s3, s7;
	s7 =	simm.s32 @!p0 $0x108  }
0x21: {  	s3 =	sadd.s32 s3, s9;
	s6 =	sadd.s32 @!p0 $0x88, s6;
	s7 =	simm.s32 @p2 $0x1082  }
0x22: {  	[simem:s7], [sflag:s8] =	dma.local @!p0 [hbm:s6], $0xF7A  }
0x23: {  	s9 =	sor.u32 $0xD0000000, s2;
	s6 =	simm.s32 $0x108;
	_ =	swait.ge @!p0 [sflag:s8], $0x0  }
0x24: {  	s3 =	sadd.s32 $0x88, s3;
	s6 =	simm.s32 @!p1 $0x1082;
	[sflag:s4] =	ssyncset.s32 $0xFFFFF086  }
0x25: {  	[simem:s6], [sflag:s4] =	dma.local [hbm:s3], $0xF7A  }
0x26: {  	[smem:$0x3F9B] =	sst s1;
	(tag) =	ssettag s2;
	_ =	strace s9  }
0x27: {  	s1 =	sld [smem:$0x3FAB]  }
0x28: {  	s2 =	sld [smem:$0x3FAC]  }
0x29: {  	s4 =	sld [smem:$0x3FAE]  }
0x2a: {  	p0 =	seq.s32 s5, $0x0;
	s5 =	sld [smem:$0x3FAF]  }
0x2b: {  	s6 =	sld [smem:$0x3FB0]  }
0x2c: {  	s7 =	sld [smem:$0x3FB1]  }
0x2d: {  	s3 =	simm.s32 $0x108;
	s8 =	sld [smem:$0x3FB2]  }
0x2e: {  	s3 =	simm.s32 @!p0 $0x1082;
	s9 =	sld [smem:$0x3FB3]  }
0x2f: {  	lr =	sadd.s32 s0, s3;
	s0 =	sld [smem:$0x3FAA]  }
0x30: {  	s3 =	sld [smem:$0x3FAD]  }
0x31: {  	[smem:$0x3FB6] =	sst s10  }
0x32: {  	s10 =	sld [smem:$0x3FB4];
	_ =	sdelay $0x3  }
0x33: {  	p0 =	seq.s32 s10, $0x1;
	s10 =	sld [smem:$0x3FB6];
	_ =	sdelay $0x3  }
0x34: {  	[smem:$0x3FB6] =	sst s10  }
0x35: {  	s10 =	sld [smem:$0x3FB5];
	_ =	sdelay $0x3  }
0x36: {  	p1 =	seq.s32 s10, $0x1;
	s10 =	sld [smem:$0x3FB6];
	_ =	sdelay $0x3  }
0x37: {  	[smem:$0x3FB6] =	sst s10  }
0x38: {  	s10 =	sld [smem:$0x3FB7]  }
0x39: {  	_ = 	snop;
	(pc) =	sbr.ind lr, $3  }
0x3a: {  	_ = 	snop  }
0x3b: {  	_ = 	snop  }
0x3c: {  	p2 =	seq.s32 s10, $0x1;
	s10 =	sld [smem:$0x3FB6]  }
0x3d: {  	_ =	shalt  }
0x3e: {  	_ =	shalt  }
0x3f: {  	_ =	shalt  }
0x40: {  	_ =	shalt  }
0x41: {  	_ =	shalt  }
0x42: {  	_ =	shalt  }
0x43: {  	_ =	shalt  }
0x44: {  	_ =	shalt  }
0x45: {  	_ =	shalt  }
0x46: {  	_ =	shalt  }
0x47: {  	_ =	shalt  }
0x48: {  	_ =	shalt  }
0x49: {  	_ =	shalt  }
0x4a: {  	_ =	shalt  }
0x4b: {  	_ =	shalt  }
0x4c: {  	_ =	shalt  }
0x4d: {  	_ =	shalt  }
0x4e: {  	_ =	shalt  }
0x4f: {  	_ =	shalt  }
0x50: {  	_ =	shalt  }
0x51: {  	_ =	shalt  }
0x52: {  	_ =	shalt  }
0x53: {  	_ =	shalt  }
0x54: {  	_ =	shalt  }
0x55: {  	_ =	shalt  }
0x56: {  	_ =	shalt  }
0x57: {  	_ =	shalt  }
0x58: {  	_ =	shalt  }
0x59: {  	_ =	shalt  }
0x5a: {  	_ =	shalt  }
0x5b: {  	_ =	shalt  }
0x5c: {  	_ =	shalt  }
0x5d: {  	_ =	shalt  }
0x5e: {  	_ =	shalt  }
0x5f: {  	_ =	shalt  }
0x60: {  	_ =	shalt  }
0x61: {  	_ =	shalt  }
0x62: {  	_ =	shalt  }
0x63: {  	_ =	shalt  }
0x64: {  	_ =	shalt  }
0x65: {  	_ =	shalt  }
0x66: {  	_ =	shalt  }
0x67: {  	_ =	shalt  }
0x68: {  	_ =	shalt  }
0x69: {  	_ =	shalt  }
0x6a: {  	_ =	shalt  }
0x6b: {  	_ =	shalt  }
0x6c: {  	_ =	shalt  }
0x6d: {  	_ =	shalt  }
0x6e: {  	_ =	shalt  }
0x6f: {  	_ =	shalt  }
0x70: {  	_ =	shalt  }
0x71: {  	_ =	shalt  }
0x72: {  	_ =	shalt  }
0x73: {  	_ =	shalt  }
0x74: {  	_ =	shalt  }
0x75: {  	_ =	shalt  }
0x76: {  	_ =	shalt  }
0x77: {  	_ =	shalt  }
0x78: {  	_ =	shalt  }
0x79: {  	_ =	shalt  }
0x7a: {  	_ =	shalt  }
0x7b: {  	_ =	shalt  }
0x7c: {  	_ =	shalt  }
0x7d: {  	_ =	shalt  }
0x7e: {  	_ =	shalt  }
0x7f: {  	_ =	shalt  }
0x80: {  	_ =	shalt  }
0x81: {  	_ =	shalt  }
0x82: {  	_ =	shalt  }
0x83: {  	_ =	shalt  }
0x84: {  	_ =	shalt  }
0x85: {  	_ =	shalt  }
0x86: {  	_ =	shalt  }
0x87: {  	_ =	shalt  }
.Lfunc_end0:
.L_simem_size_0:
called_computation_lowered:
.L_overlay_start_0:
0x88: {  	s2 =	sld [smem:$0x3FD9]  }
0x89: {  	s3 =	sld [smem:$0x3FFE];
	_ =	sdelay $0x1  }
0x8a: {  	s1 =	srdreg.scid  }
0x8b: {  	s0 =	sand.u32 $0x1, s1  }
0x8c: {  	s17 =	sshll.u32 s0, $0xA;
	s2 =	sadd.s32 s3, s2  }
0x8d: {  	s2 =	sadd.s32 s2, s17  }
0x8e: {  	[smem:$0x3FC2] =	sst s2  }
0x8f: {  	_ = 	snop  }
0x90: {  	s2 =	sld [smem:$0x3FC9];
	(tm) =	ssettm $0x1  }
0x91: {  	s18 =	sld [smem:$0x3FFB];
	_ =	sdelay $0x3  }
0x92: {  	_ =	strace s18  }
0x93: {  	s3 =	sld [smem:$0x3FFC];
	_ =	sdelay $0x3  }
0x94: {  	_ =	strace s3  }
0x95: {  	s3 =	sld [smem:$0x3FFD];
	_ =	sdelay $0x3  }
0x96: {  	_ =	strace s3  }
0x97: {  	_ =	strace $0x8FFFFFFF  }
0x98: {  	s19 =	sld [smem:$0x3FDB];
	_ =	sdelay $0x1  }
0x99: {  	s4 =	simm.s32 $_scs_section_size  }
0x9a: {  	s5 =	simm.s32 $_size__tile_overlayer_lowered;
	s6 =	simm.s32 $_tile_overlayer_lowered  }
0x9b: {  	s22 =	simm.s32 $0x1BFF;
	s21 =	sshll.u32 s6, $0x1;
	s3 =	sadd.s32 s4, s19  }
0x9c: {  	s7 =	simm.s32 $0x0;
	s20 =	sshll.u32 s5, $0x1;
	s5 =	sadd.s32 s21, s3  }
0x9d: {  	[timem:s7], [sflag:s22] =	dma.local [hbm:s5], s20  }
0x9e: {  	_ =	swait.ge [sflag:s22], s20  }
0x9f: {  	s4 =	ssub.s32 $0x0, s20;
	[sflag:s22] =	ssyncset.done $0x0  }
0xa0: {  	[sflag:s22] =	ssyncadd.s32 s4;
	_ =	sdelay $0x1  }
0xa1: {  	s23 =	simm.s32 $0x1B8B  }
0xa2: {  	_ =	swait.ge [sflag:s23], $0x1  }
0xa3: {  	[sflag:s23] =	ssyncset.done $0x0  }
0xa4: {  	s25 =	simm.s32 $0x1B8E;
	s24 =	sld [smem:$0x3FFE];
	[sflag:s23] =	ssyncadd.s32 $0xFFFFFFFF  }
0xa5: {  	s26 =	simm.s32 $execute0_lowered;
	[smem:$0x3FD2] =	sst s25  }
0xa6: {  	s5 =	sshll.u32 s26, $0x1;
	_ =	strace $0x80000046;
	[dreg:$0x1] =	wrdreg $0xFFFFFFFF  }
0xa7: {  	s28 =	simm.s32 $_size_execute0_lowered;
	s3 =	sadd.s32 s3, s5;
	[dreg:$0x0] =	wrdreg $0x0  }
0xa8: {  	s5 =	sshll.u32 s28, $0x1;
	[dreg:$0x2] =	wrdreg s3  }
0xa9: {  	[dreg:$0x3] =	wrdreg s5  }
0xaa: {  	[dreg:$0x4] =	wrdreg $0xC0  }
0xab: {  	_ =	task [dreg:s7], $0x5FFFF  }
0xac: {  	[dreg:$0x1] =	wrdreg $0xFFFFFFFF  }
0xad: {  	[dreg:$0x0] =	wrdreg $0x60  }
0xae: {  	[dreg:$0x2] =	wrdreg s2  }
0xaf: {  	[dreg:$0x3] =	wrdreg s24  }
0xb0: {  	[dreg:$0x4] =	wrdreg $0x9  }
0xb1: {  	_ =	task.clear_ibuf [dreg:s7], $0x5FFFF;
	_ =	strace $0x90000046  }
0xb2: {  	s29 =	simm.s32 $0x9;
	_ =	strace $0x80000048  }
0xb3: {  	_ =	swait.ge [sflag:s29], $0x1  }
0xb4: {  	[sflag:s29] =	ssyncadd.s32 $0xFFFFFFFF  }
0xb5: {  	_ =	strace $0x90000048  }
0xb6: {  	_ =	sfence  }
0xb7: {  	s30 =	sld [smem:$0x0];
	_ =	sdelay $0x2  }
0xb8: {  	s31 =	sshll.u32 s1, $0xD;
	s1 =	sshrl.u32 s1, $0x2  }
0xb9: {  	s3 =	sand.u32 $0x4000, s31;
	s1 =	sadd.s32 s1, s30  }
0xba: {  	s0 =	sor.u32 s3, s0;
	s1 =	sshll.u32 s1, $0x11  }
0xbb: {  	s0 =	sor.u32 s1, s0  }
0xbc: {  	s0 =	sadd.s32 $0x8F2B, s0  }
0xbd: {  	[sflag:s0] =	ssyncadd.remote.s32 $0x1  }
0xbe: {  	_ =	sfence.sel $0xFFFF  }
0xbf: {  	[dreg:$0x0] =	wrdreg $0xFFFFFFFF;
	(pc) =	sbr.abs _section_cstart, $3  }
0xc0: {  	[dreg:$0x1] =	wrdreg $0xFFFFFFFF  }
0xc1: {  	_ =	task.clear_ibuf [dreg:s7], $0x2FFFF;
	_ =	strace $0x9FFFFFFF  }
0xc2: {  	(tm) =	ssettm $0x7FFFFFFF  }
0xc3: {  	_ =	shalt  }
tec
execute0_lowered:
.L_overlay_start_1:
0x0: {  	(tag) =	ssettag $0x1  }
0x1: {  	s1 =	srdreg.scid  }
0x2: {  	s3 =	rddreg [dreg:$0x0];
	s0 =	stileid.u32  }
0x3: {  	s5 =	rddreg [dreg:$0x1];
	s2 =	simm.s32 $0x0;
	s8 =	simm.s32 $0x80  }
0x4: {  	s26 =	simm.s32 $0x880;
	s9 =	simm.s32 $0x1080;
	s10 =	simm.s32 $0x1880  }
0x5: {  	s11 =	simm.s32 $0x2080;
	s12 =	simm.s32 $0x2880;
	s13 =	simm.s32 $0x3080  }
0x6: {  	s14 =	simm.s32 $0x3880;
	s15 =	simm.s32 $0x4080;
	s16 =	simm.s32 $0x4880  }
0x7: {  	s17 =	simm.s32 $0x5080;
	s18 =	simm.s32 $0x5880;
	s19 =	simm.s32 $0x6080  }
0x8: {  	s20 =	simm.s32 $0x6880;
	s21 =	simm.s32 $0x7080;
	s22 =	simm.s32 $0x7880  }
0x9: {  	s23 =	simm.s32 $0x8080;
	s24 =	simm.s32 $0x8880;
	s25 =	simm.s32 $0x9080  }
0xa: {  	s28 =	simm.s32 $0xA080;
	s29 =	simm.s32 $0xA880;
	s30 =	simm.s32 $0xB080  }
0xb: {  	s31 =	simm.s32 $0xB880;
	s1 =	sand.u32 $0x1, s1;
	[smem:$0x7FF] =	sst s2  }
0xc: {  	s4 =	sshll.u32 s0, $0x4;
	s6 =	sshll.u32 s1, $0x3;
	_ =	strace $0x80000047  }
0xd: {  	s1 =	ssub.s32 $0x2, s1;
	[dreg:$0x5] =	wrdreg s26;
	s4 =	sor.u32 s6, s4  }
0xe: {  	s7 =	sshrl.u32 s1, $0x1;
	s6 =	sadd.s32 s4, s5;
	s4 =	smul.u32 $0x300, s4  }
0xf: {  	s26 =	simm.s32 $0x9880;
	s1 =	ssub.s32 s1, s7;
	s6 =	sadd.s32 $0x2000, s6  }
0x10: {  	v2 =	vlaneseq.u32;
	s7 =	simm.s32 $0x2;
	[dreg:$0x3] =	wrdreg s6;
	s4 =	sadd.s32 s3, s4  }
0x11: {  	vm0 =	vmmov $0xffff;
	v1 =	vshrl.u32 v2, $0x3;
	s3 =	sadd.s32 $0x2200, s5;
	s6 =	smax.u32 s1, $0x1;
	s1 =	simm.s32 $0x1  }
0x12: {  	v0 =	vand.u32 $0x7, v2;
	v2 =	vor.u32 $0x8, v2;
	v1 =	vmul.u32 $0x8, v1;
	[dreg:$0x4] =	wrdreg s4;
	s4 =	sadd.s32 $0x2300, s5;
	s5 =	sadd.s32 $0x2400, s5  }
.LBB2_1:
0x13: {  	s0 =	rddreg [dreg:$0x3]  }
0x14: {  	[tilespmem:s2], [sflag:$0x2] =	stream.linear.gather [hbm4b:s0+s2], $0x40, $0x38;
	[tilespmem:$0xC080] =	vst v63  }
0x15: {  	_ =	swait.ge [sflag:s7], $0x40  }
0x16: {  	[sflag:s7] =	ssyncset.done $0x0  }
0x17: {  	s0 =	rddreg [dreg:$0x4];
	[sflag:s7] =	ssyncadd.s32 $0xFFFFFFC0  }
0x18: {  	[tilespmem:s8], [sflag:$0x2] =	stream.linear.gather [hbm4b:s0+s2], $0xC000, $0x38;
	[tilespmem:$0xC080] =	vst v63  }
0x19: {  	_ =	swait.ge [sflag:s7], $0xC000  }
0x1a: {  	[sflag:s7] =	ssyncset.done $0x0  }
0x1b: {  	[sflag:s7] =	ssyncadd.s32 $0xFFFF4000  }
0x1c: {  	v3 =	vld [tilespmem:$0x0];
	_ =	sdelay $0x4  }
0x1d: {  	v4 =	vshrl.u32 v3, $0x3  }
0x1e: {  	v4 =	vmul.u32 $0x30, v4  }
0x1f: {  	v3 =	vand.u32 $0x7, v3  }
0x20: {  	v3 =	vor.u32 v3, v4  }
0x21: {  	v4 =	vperm.xlane v3, v0;
	_ =	sdelay $0x1  }
0x22: {  	v4 =	vadd.s32 v1, v4;
	_ =	sdelay $0x3  }
0x23: {  	v3 =	vperm.xlane v3, v2  }
0x24: {  	[hbm4b:s3+s2] =	stream.indirect_vreg.scatter [tilespmem:s8], [sflag:$0x1], $0x80, v4, vm0, $0xb8;
	[tilespmem:$0xC080] =	vst v63  }
0x25: {  	s0 =	rddreg [dreg:$0x5];
	v3 =	vadd.s32 v1, v3  }
0x26: {  	[hbm4b:s4+s2] =	stream.indirect_vreg.scatter [tilespmem:s0], [sflag:$0x1], $0x80, v4, vm0, $0xb8;
	[tilespmem:$0xC080] =	vst v63  }
0x27: {  	_ = 	snop  }
0x28: {  	[hbm4b:s5+s2] =	stream.indirect_vreg.scatter [tilespmem:s9], [sflag:$0x1], $0x80, v4, vm0, $0xb8;
	[tilespmem:$0xC080] =	vst v63  }
0x29: {  	_ = 	snop  }
0x2a: {  	[hbm4b:s3+s2] =	stream.indirect_vreg.scatter [tilespmem:s10], [sflag:$0x1], $0x80, v3, vm0, $0xb8;
	[tilespmem:$0xC080] =	vst v63  }
0x2b: {  	_ = 	snop  }
0x2c: {  	[hbm4b:s4+s2] =	stream.indirect_vreg.scatter [tilespmem:s11], [sflag:$0x1], $0x80, v3, vm0, $0xb8;
	[tilespmem:$0xC080] =	vst v63  }
0x2d: {  	_ = 	snop  }
0x2e: {  	[hbm4b:s5+s2] =	stream.indirect_vreg.scatter [tilespmem:s12], [sflag:$0x1], $0x80, v3, vm0, $0xb8;
	[tilespmem:$0xC080] =	vst v63  }
0x2f: {  	v3 =	vld [tilespmem:$0x10];
	_ =	sdelay $0x4  }
0x30: {  	v61 =	vshrl.u32 v3, $0x3  }
0x31: {  	v4 =	vmul.u32 $0x30, v61  }
0x32: {  	v3 =	vand.u32 $0x7, v3  }
0x33: {  	v3 =	vor.u32 v3, v4  }
0x34: {  	v4 =	vperm.xlane v3, v0;
	_ =	sdelay $0x1  }
0x35: {  	v4 =	vadd.s32 v1, v4;
	_ =	sdelay $0x3  }
0x36: {  	v3 =	vperm.xlane v3, v2  }
0x37: {  	[hbm4b:s3+s2] =	stream.indirect_vreg.scatter [tilespmem:s13], [sflag:$0x1], $0x80, v4, vm0, $0xb8;
	[tilespmem:$0xC080] =	vst v63  }
0x38: {  	v3 =	vadd.s32 v1, v3  }
0x39: {  	[hbm4b:s4+s2] =	stream.indirect_vreg.scatter [tilespmem:s14], [sflag:$0x1], $0x80, v4, vm0, $0xb8;
	[tilespmem:$0xC080] =	vst v63  }
0x3a: {  	_ = 	snop  }
0x3b: {  	[hbm4b:s5+s2] =	stream.indirect_vreg.scatter [tilespmem:s15], [sflag:$0x1], $0x80, v4, vm0, $0xb8;
	[tilespmem:$0xC080] =	vst v63  }
0x3c: {  	_ = 	snop  }
0x3d: {  	[hbm4b:s3+s2] =	stream.indirect_vreg.scatter [tilespmem:s16], [sflag:$0x1], $0x80, v3, vm0, $0xb8;
	[tilespmem:$0xC080] =	vst v63  }
0x3e: {  	_ = 	snop  }
0x3f: {  	[hbm4b:s4+s2] =	stream.indirect_vreg.scatter [tilespmem:s17], [sflag:$0x1], $0x80, v3, vm0, $0xb8;
	[tilespmem:$0xC080] =	vst v63  }
0x40: {  	_ = 	snop  }
0x41: {  	[hbm4b:s5+s2] =	stream.indirect_vreg.scatter [tilespmem:s18], [sflag:$0x1], $0x80, v3, vm0, $0xb8;
	[tilespmem:$0xC080] =	vst v63  }
0x42: {  	v3 =	vld [tilespmem:$0x20];
	_ =	sdelay $0x4  }
0x43: {  	v62 =	vshrl.u32 v3, $0x3  }
0x44: {  	v4 =	vmul.u32 $0x30, v62  }
0x45: {  	v3 =	vand.u32 $0x7, v3  }
0x46: {  	v3 =	vor.u32 v3, v4  }
0x47: {  	v4 =	vperm.xlane v3, v0;
	_ =	sdelay $0x1  }
0x48: {  	v4 =	vadd.s32 v1, v4;
	_ =	sdelay $0x3  }
0x49: {  	v3 =	vperm.xlane v3, v2  }
0x4a: {  	[hbm4b:s3+s2] =	stream.indirect_vreg.scatter [tilespmem:s19], [sflag:$0x1], $0x80, v4, vm0, $0xb8;
	[tilespmem:$0xC080] =	vst v63  }
0x4b: {  	v3 =	vadd.s32 v1, v3  }
0x4c: {  	[hbm4b:s4+s2] =	stream.indirect_vreg.scatter [tilespmem:s20], [sflag:$0x1], $0x80, v4, vm0, $0xb8;
	[tilespmem:$0xC080] =	vst v63  }
0x4d: {  	_ = 	snop  }
0x4e: {  	[hbm4b:s5+s2] =	stream.indirect_vreg.scatter [tilespmem:s21], [sflag:$0x1], $0x80, v4, vm0, $0xb8;
	[tilespmem:$0xC080] =	vst v63  }
0x4f: {  	_ = 	snop  }
0x50: {  	[hbm4b:s3+s2] =	stream.indirect_vreg.scatter [tilespmem:s22], [sflag:$0x1], $0x80, v3, vm0, $0xb8;
	[tilespmem:$0xC080] =	vst v63  }
0x51: {  	_ = 	snop  }
0x52: {  	[hbm4b:s4+s2] =	stream.indirect_vreg.scatter [tilespmem:s23], [sflag:$0x1], $0x80, v3, vm0, $0xb8;
	[tilespmem:$0xC080] =	vst v63  }
0x53: {  	_ = 	snop  }
0x54: {  	[hbm4b:s5+s2] =	stream.indirect_vreg.scatter [tilespmem:s24], [sflag:$0x1], $0x80, v3, vm0, $0xb8;
	[tilespmem:$0xC080] =	vst v63  }
0x55: {  	v3 =	vld [tilespmem:$0x30];
	_ =	sdelay $0x4  }
0x56: {  	v63 =	vshrl.u32 v3, $0x3  }
0x57: {  	v4 =	vmul.u32 $0x30, v63  }
0x58: {  	v3 =	vand.u32 $0x7, v3  }
0x59: {  	v3 =	vor.u32 v3, v4  }
0x5a: {  	v4 =	vperm.xlane v3, v0;
	_ =	sdelay $0x1  }
0x5b: {  	v4 =	vadd.s32 v1, v4;
	_ =	sdelay $0x3  }
0x5c: {  	v3 =	vperm.xlane v3, v2  }
0x5d: {  	[hbm4b:s3+s2] =	stream.indirect_vreg.scatter [tilespmem:s25], [sflag:$0x1], $0x80, v4, vm0, $0xb8;
	[tilespmem:$0xC080] =	vst v63  }
0x5e: {  	v3 =	vadd.s32 v1, v3  }
0x5f: {  	[hbm4b:s4+s2] =	stream.indirect_vreg.scatter [tilespmem:s26], [sflag:$0x1], $0x80, v4, vm0, $0xb8;
	[tilespmem:$0xC080] =	vst v63  }
0x60: {  	_ = 	snop  }
0x61: {  	[hbm4b:s5+s2] =	stream.indirect_vreg.scatter [tilespmem:s28], [sflag:$0x1], $0x80, v4, vm0, $0xb8;
	[tilespmem:$0xC080] =	vst v63  }
0x62: {  	_ = 	snop  }
0x63: {  	[hbm4b:s3+s2] =	stream.indirect_vreg.scatter [tilespmem:s29], [sflag:$0x1], $0x80, v3, vm0, $0xb8;
	[tilespmem:$0xC080] =	vst v63  }
0x64: {  	p0 =	sne.s32 s6, $0x1  }
0x65: {  	[hbm4b:s4+s2] =	stream.indirect_vreg.scatter [tilespmem:s30], [sflag:$0x1], $0x80, v3, vm0, $0xb8;
	[tilespmem:$0xC080] =	vst v63  }
.Ltmp0:
0x66: {  	_ = 	snop;
	(pc) =	sbr.rel @p0 .LBB2_1-.Ltmp0, $4  }
0x67: {  	[hbm4b:s5+s2] =	stream.indirect_vreg.scatter [tilespmem:s31], [sflag:$0x1], $0x80, v3, vm0, $0xb8;
	[tilespmem:$0xC080] =	vst v63  }
0x68: {  	_ =	swait.ge [sflag:s1], $0xC000  }
0x69: {  	[sflag:s1] =	ssyncset.done $0x0  }
0x6a: {  	s6 =	sadd.s32 $0xFFFFFFFF, s6;
	[sflag:s1] =	ssyncadd.s32 $0xFFFF4000  }
0x6b: {  	_ =	sfence.sel $0x180000  }
0x6c: {  	[bflag:$0x0] =	sbarrier.arrive $0xFFFF  }
0x6d: {  	_ =	strace $0x90000047  }
0x6e: {  	s0 =	stileid.u32;
	[bflag:$0x2] =	sbarrier.arrive $0xFFFF  }
0x6f: {  	p0 =	sne.s32 s0, $0x0;
	s0 =	rddreg [dreg:$0x2]  }
0x70: {  	s0 =	sadd.s32 @!p0 $0x100000, s0  }
0x71: {  	[sflag:s0] =	ssyncadd.tile.s32 @!p0 $0x1;
	_ =	shalt  }
.Lfunc_end2:
_tile_overlayer_lowered:
.L_overlay_start_2:
0x72: {  	(tag) =	ssettag $0x2  }
0x73: {  	s0 =	rddreg [dreg:$0x0];
	s2 =	stileid.u32  }
0x74: {  	s1 =	rddreg [dreg:$0x1];
	p0 =	sne.s32 s2, $0x0  }
0x75: {  	s3 =	rddreg [dreg:$0x2];
	[bflag:$0x3] =	sbarrier.arrive $0xFFFF;
	s2 =	simm.s32 @!p0 $0x1C02  }
0x76: {  	[timem:s3], [sflag:s2] =	dma.local @!p0 [hbm:s0], s1  }
0x77: {  	s0 =	simm.s32 @!p0 $0x2  }
0x78: {  	_ =	swait.ge @!p0 [sflag:s0], s1  }
0x79: {  	s1 =	ssub.s32 @!p0 $0x0, s1;
	[sflag:s0] =	ssyncset.done @!p0 $0x0  }
0x7a: {  	[sflag:s0] =	ssyncadd.s32 @!p0 s1  }
0x7b: {  	[bflag:$0x3] =	sbarrier.arrive $0xFFFF  }
0x7c: {  	_ =	shalt  }

// kernel: kernel.9.cloned.1.call-start
scs
__scs_entry_jumppad:
0x0: {  	(pc) =	sbr.rel $0x88, $3  }
0x1: {  	(tag) =	ssettag $0x0;
	lr =	simm.s32 $0x1  }
0x2: {  	[smem:$0x3F9B] =	sst lr;
	_ =	strace $0xD0000000  }
0x3: {  	_ = 	snop  }
0x4: {  	_ = 	snop  }
0x5: {  	_ = 	snop  }
0x6: {  	_ = 	snop  }
0x7: {  	_ = 	snop  }
__scs_overlays_trampoline_lowered:
0x8: {  	[smem:$0x3FAA] =	sst s0  }
0x9: {  	[smem:$0x3FAB] =	sst s1  }
0xa: {  	[smem:$0x3FAC] =	sst s2  }
0xb: {  	[smem:$0x3FAD] =	sst s3  }
0xc: {  	[smem:$0x3FAE] =	sst s4  }
0xd: {  	[smem:$0x3FAF] =	sst s5  }
0xe: {  	[smem:$0x3FB0] =	sst s6  }
0xf: {  	[smem:$0x3FB1] =	sst s7  }
0x10: {  	[smem:$0x3FB2] =	sst s8  }
0x11: {  	[smem:$0x3FB3] =	sst s9;
	s0 =	simm.s32 @!p0 $0x0  }
0x12: {  	s1 =	sld [smem:$0x3F99];
	s0 =	simm.s32 @p0 $0x1  }
0x13: {  	[smem:$0x3FB4] =	sst s0;
	s0 =	simm.s32 @!p1 $0x0  }
0x14: {  	s2 =	sld [smem:$0x3F98];
	s0 =	simm.s32 @p1 $0x1  }
0x15: {  	[smem:$0x3FB5] =	sst s0;
	s0 =	simm.s32 @!p2 $0x0  }
0x16: {  	s3 =	sld [smem:$0x3FDB];
	s0 =	simm.s32 @p2 $0x1  }
0x17: {  	s4 =	simm.s32 $0x1BF5;
	[smem:$0x3FB7] =	sst s0  }
0x18: {  	s0 =	sld [smem:$0x3F9A];
	_ =	swait.ge [sflag:s4], $0x0  }
0x19: {  	s7 =	sld [smem:$0x3F9B]  }
0x1a: {  	s8 =	sadd.s32 $0xFFFFE003, lr  }
0x1b: {  	s9 =	sadd.s32 $0xFFFFFEF7, lr;
	s5 =	simm.s32 $0xFFFFFFFF;
	p2 =	slt.u32 s8, $0xFFFFF086  }
0x1c: {  	p1 =	slt.u32 s9, $0xF7A;
	s5 =	simm.s32 @!p2 $0x0  }
0x1d: {  	s5 =	simm.s32 @p1 $0x1;
	p0 =	seq.s32 s7, s2  }
0x1e: {  	s7 =	smul.u32 @!p0 $0xF7A, s2;
	p2 =	seq.s32 @!p0 s5, $0x0  }
0x1f: {  	s9 =	smul.u32 $0xF7A, s1;
	s8 =	simm.s32 @!p0 $0x1BF5;
	p2 =	por !p2, p0  }
0x20: {  	[sflag:s8] =	ssyncset.s32 @!p0 $0xFFFFF086;
	s6 =	sadd.s32 @!p0 s3, s7;
	s7 =	simm.s32 @!p0 $0x108  }
0x21: {  	s3 =	sadd.s32 s3, s9;
	s6 =	sadd.s32 @!p0 $0x88, s6;
	s7 =	simm.s32 @p2 $0x1082  }
0x22: {  	[simem:s7], [sflag:s8] =	dma.local @!p0 [hbm:s6], $0xF7A  }
0x23: {  	s9 =	sor.u32 $0xD0000000, s2;
	s6 =	simm.s32 $0x108;
	_ =	swait.ge @!p0 [sflag:s8], $0x0  }
0x24: {  	s3 =	sadd.s32 $0x88, s3;
	s6 =	simm.s32 @!p1 $0x1082;
	[sflag:s4] =	ssyncset.s32 $0xFFFFF086  }
0x25: {  	[simem:s6], [sflag:s4] =	dma.local [hbm:s3], $0xF7A  }
0x26: {  	[smem:$0x3F9B] =	sst s1;
	(tag) =	ssettag s2;
	_ =	strace s9  }
0x27: {  	s1 =	sld [smem:$0x3FAB]  }
0x28: {  	s2 =	sld [smem:$0x3FAC]  }
0x29: {  	s4 =	sld [smem:$0x3FAE]  }
0x2a: {  	p0 =	seq.s32 s5, $0x0;
	s5 =	sld [smem:$0x3FAF]  }
0x2b: {  	s6 =	sld [smem:$0x3FB0]  }
0x2c: {  	s7 =	sld [smem:$0x3FB1]  }
0x2d: {  	s3 =	simm.s32 $0x108;
	s8 =	sld [smem:$0x3FB2]  }
0x2e: {  	s3 =	simm.s32 @!p0 $0x1082;
	s9 =	sld [smem:$0x3FB3]  }
0x2f: {  	lr =	sadd.s32 s0, s3;
	s0 =	sld [smem:$0x3FAA]  }
0x30: {  	s3 =	sld [smem:$0x3FAD]  }
0x31: {  	[smem:$0x3FB6] =	sst s10  }
0x32: {  	s10 =	sld [smem:$0x3FB4];
	_ =	sdelay $0x3  }
0x33: {  	p0 =	seq.s32 s10, $0x1;
	s10 =	sld [smem:$0x3FB6];
	_ =	sdelay $0x3  }
0x34: {  	[smem:$0x3FB6] =	sst s10  }
0x35: {  	s10 =	sld [smem:$0x3FB5];
	_ =	sdelay $0x3  }
0x36: {  	p1 =	seq.s32 s10, $0x1;
	s10 =	sld [smem:$0x3FB6];
	_ =	sdelay $0x3  }
0x37: {  	[smem:$0x3FB6] =	sst s10  }
0x38: {  	s10 =	sld [smem:$0x3FB7]  }
0x39: {  	_ = 	snop;
	(pc) =	sbr.ind lr, $3  }
0x3a: {  	_ = 	snop  }
0x3b: {  	_ = 	snop  }
0x3c: {  	p2 =	seq.s32 s10, $0x1;
	s10 =	sld [smem:$0x3FB6]  }
0x3d: {  	_ =	shalt  }
0x3e: {  	_ =	shalt  }
0x3f: {  	_ =	shalt  }
0x40: {  	_ =	shalt  }
0x41: {  	_ =	shalt  }
0x42: {  	_ =	shalt  }
0x43: {  	_ =	shalt  }
0x44: {  	_ =	shalt  }
0x45: {  	_ =	shalt  }
0x46: {  	_ =	shalt  }
0x47: {  	_ =	shalt  }
0x48: {  	_ =	shalt  }
0x49: {  	_ =	shalt  }
0x4a: {  	_ =	shalt  }
0x4b: {  	_ =	shalt  }
0x4c: {  	_ =	shalt  }
0x4d: {  	_ =	shalt  }
0x4e: {  	_ =	shalt  }
0x4f: {  	_ =	shalt  }
0x50: {  	_ =	shalt  }
0x51: {  	_ =	shalt  }
0x52: {  	_ =	shalt  }
0x53: {  	_ =	shalt  }
0x54: {  	_ =	shalt  }
0x55: {  	_ =	shalt  }
0x56: {  	_ =	shalt  }
0x57: {  	_ =	shalt  }
0x58: {  	_ =	shalt  }
0x59: {  	_ =	shalt  }
0x5a: {  	_ =	shalt  }
0x5b: {  	_ =	shalt  }
0x5c: {  	_ =	shalt  }
0x5d: {  	_ =	shalt  }
0x5e: {  	_ =	shalt  }
0x5f: {  	_ =	shalt  }
0x60: {  	_ =	shalt  }
0x61: {  	_ =	shalt  }
0x62: {  	_ =	shalt  }
0x63: {  	_ =	shalt  }
0x64: {  	_ =	shalt  }
0x65: {  	_ =	shalt  }
0x66: {  	_ =	shalt  }
0x67: {  	_ =	shalt  }
0x68: {  	_ =	shalt  }
0x69: {  	_ =	shalt  }
0x6a: {  	_ =	shalt  }
0x6b: {  	_ =	shalt  }
0x6c: {  	_ =	shalt  }
0x6d: {  	_ =	shalt  }
0x6e: {  	_ =	shalt  }
0x6f: {  	_ =	shalt  }
0x70: {  	_ =	shalt  }
0x71: {  	_ =	shalt  }
0x72: {  	_ =	shalt  }
0x73: {  	_ =	shalt  }
0x74: {  	_ =	shalt  }
0x75: {  	_ =	shalt  }
0x76: {  	_ =	shalt  }
0x77: {  	_ =	shalt  }
0x78: {  	_ =	shalt  }
0x79: {  	_ =	shalt  }
0x7a: {  	_ =	shalt  }
0x7b: {  	_ =	shalt  }
0x7c: {  	_ =	shalt  }
0x7d: {  	_ =	shalt  }
0x7e: {  	_ =	shalt  }
0x7f: {  	_ =	shalt  }
0x80: {  	_ =	shalt  }
0x81: {  	_ =	shalt  }
0x82: {  	_ =	shalt  }
0x83: {  	_ =	shalt  }
0x84: {  	_ =	shalt  }
0x85: {  	_ =	shalt  }
0x86: {  	_ =	shalt  }
0x87: {  	_ =	shalt  }
.Lfunc_end0:
.L_simem_size_0:
called_computation.1_lowered:
.L_overlay_start_0:
0x88: {  	s2 =	sld [smem:$0x3FD9]  }
0x89: {  	s3 =	sld [smem:$0x3FFE];
	_ =	sdelay $0x1  }
0x8a: {  	s1 =	srdreg.scid  }
0x8b: {  	s0 =	sand.u32 $0x1, s1  }
0x8c: {  	s17 =	sshll.u32 s0, $0xA;
	s2 =	sadd.s32 s3, s2  }
0x8d: {  	s2 =	sadd.s32 s2, s17  }
0x8e: {  	[smem:$0x3FC2] =	sst s2  }
0x8f: {  	_ = 	snop  }
0x90: {  	s2 =	sld [smem:$0x3FD0];
	(tm) =	ssettm $0x1  }
0x91: {  	s18 =	sld [smem:$0x3FFB];
	_ =	sdelay $0x3  }
0x92: {  	_ =	strace s18  }
0x93: {  	s3 =	sld [smem:$0x3FFC];
	_ =	sdelay $0x3  }
0x94: {  	_ =	strace s3  }
0x95: {  	s3 =	sld [smem:$0x3FFD];
	_ =	sdelay $0x3  }
0x96: {  	_ =	strace s3  }
0x97: {  	_ =	strace $0x8FFFFFFF  }
0x98: {  	s19 =	sld [smem:$0x3FDB];
	_ =	sdelay $0x1  }
0x99: {  	s4 =	simm.s32 $_scs_section_size  }
0x9a: {  	s5 =	simm.s32 $_size__tile_overlayer_lowered;
	s6 =	simm.s32 $_tile_overlayer_lowered  }
0x9b: {  	s22 =	simm.s32 $0x1BFF;
	s21 =	sshll.u32 s6, $0x1;
	s3 =	sadd.s32 s4, s19  }
0x9c: {  	s7 =	simm.s32 $0x0;
	s20 =	sshll.u32 s5, $0x1;
	s5 =	sadd.s32 s21, s3  }
0x9d: {  	[timem:s7], [sflag:s22] =	dma.local [hbm:s5], s20  }
0x9e: {  	_ =	swait.ge [sflag:s22], s20  }
0x9f: {  	s4 =	ssub.s32 $0x0, s20;
	[sflag:s22] =	ssyncset.done $0x0  }
0xa0: {  	[sflag:s22] =	ssyncadd.s32 s4;
	_ =	sdelay $0x1  }
0xa1: {  	s23 =	simm.s32 $0x1B8B  }
0xa2: {  	_ =	swait.ge [sflag:s23], $0x1  }
0xa3: {  	[sflag:s23] =	ssyncset.done $0x0  }
0xa4: {  	s25 =	simm.s32 $0x1B8E;
	s24 =	sld [smem:$0x3FFE];
	[sflag:s23] =	ssyncadd.s32 $0xFFFFFFFF  }
0xa5: {  	s26 =	simm.s32 $execute0_lowered;
	[smem:$0x3FD2] =	sst s25  }
0xa6: {  	s5 =	sshll.u32 s26, $0x1;
	_ =	strace $0x80000049;
	[dreg:$0x1] =	wrdreg $0xFFFFFFFF  }
0xa7: {  	s28 =	simm.s32 $_size_execute0_lowered;
	s3 =	sadd.s32 s3, s5;
	[dreg:$0x0] =	wrdreg $0x0  }
0xa8: {  	s5 =	sshll.u32 s28, $0x1;
	[dreg:$0x2] =	wrdreg s3  }
0xa9: {  	[dreg:$0x3] =	wrdreg s5  }
0xaa: {  	[dreg:$0x4] =	wrdreg $0xC0  }
0xab: {  	_ =	task [dreg:s7], $0x5FFFF  }
0xac: {  	[dreg:$0x1] =	wrdreg $0xFFFFFFFF  }
0xad: {  	[dreg:$0x0] =	wrdreg $0x60  }
0xae: {  	[dreg:$0x2] =	wrdreg s24  }
0xaf: {  	[dreg:$0x3] =	wrdreg s2  }
0xb0: {  	[dreg:$0x4] =	wrdreg $0x9  }
0xb1: {  	_ =	task.clear_ibuf [dreg:s7], $0x5FFFF;
	_ =	strace $0x90000049  }
0xb2: {  	s29 =	simm.s32 $0x9;
	_ =	strace $0x8000004B  }
0xb3: {  	_ =	swait.ge [sflag:s29], $0x1  }
0xb4: {  	[sflag:s29] =	ssyncadd.s32 $0xFFFFFFFF  }
0xb5: {  	_ =	strace $0x9000004B  }
0xb6: {  	_ =	sfence  }
0xb7: {  	s30 =	sld [smem:$0x0];
	_ =	sdelay $0x2  }
0xb8: {  	s31 =	sshll.u32 s1, $0xD;
	s1 =	sshrl.u32 s1, $0x2  }
0xb9: {  	s3 =	sand.u32 $0x4000, s31;
	s1 =	sadd.s32 s1, s30  }
0xba: {  	s0 =	sor.u32 s3, s0;
	s1 =	sshll.u32 s1, $0x11  }
0xbb: {  	s0 =	sor.u32 s1, s0  }
0xbc: {  	s0 =	sadd.s32 $0x8F2B, s0  }
0xbd: {  	[sflag:s0] =	ssyncadd.remote.s32 $0x1  }
0xbe: {  	_ =	sfence.sel $0xFFFF  }
0xbf: {  	[dreg:$0x0] =	wrdreg $0xFFFFFFFF;
	(pc) =	sbr.abs _section_cstart, $3  }
0xc0: {  	[dreg:$0x1] =	wrdreg $0xFFFFFFFF  }
0xc1: {  	_ =	task.clear_ibuf [dreg:s7], $0x2FFFF;
	_ =	strace $0x9FFFFFFF  }
0xc2: {  	(tm) =	ssettm $0x7FFFFFFF  }
0xc3: {  	_ =	shalt  }
tec
execute0_lowered:
.L_overlay_start_1:
0x0: {  	(tag) =	ssettag $0x1  }
0x1: {  	s0 =	rddreg [dreg:$0x0]  }
0x2: {  	s5 =	rddreg [dreg:$0x1];
	s3 =	srdreg.scid  }
0x3: {  	s2 =	simm.s32 $0x0;
	s1 =	stileid.u32;
	s26 =	simm.s32 $0x880  }
0x4: {  	s10 =	simm.s32 $0x1880;
	s11 =	simm.s32 $0x2080;
	s12 =	simm.s32 $0x2880  }
0x5: {  	s13 =	simm.s32 $0x3080;
	s14 =	simm.s32 $0x3880;
	s15 =	simm.s32 $0x4080  }
0x6: {  	s16 =	simm.s32 $0x4880;
	s17 =	simm.s32 $0x5080;
	s18 =	simm.s32 $0x5880  }
0x7: {  	s19 =	simm.s32 $0x6080;
	s20 =	simm.s32 $0x6880;
	s21 =	simm.s32 $0x7080  }
0x8: {  	s22 =	simm.s32 $0x7880;
	s28 =	simm.s32 $0xA080;
	s29 =	simm.s32 $0xA880  }
0x9: {  	s30 =	simm.s32 $0xB080;
	s31 =	simm.s32 $0xB880;
	s3 =	sand.u32 $0x1, s3  }
0xa: {  	[smem:$0x7FF] =	sst s2;
	s4 =	sshll.u32 s1, $0x4;
	s6 =	sshll.u32 s3, $0x3  }
0xb: {  	_ =	strace $0x8000004A;
	s23 =	ssub.s32 $0x2, s3;
	s3 =	sadd.s32 $0xDA200, s0  }
0xc: {  	[dreg:$0x5] =	wrdreg s26;
	s26 =	simm.s32 $0x9880;
	s4 =	sor.u32 s6, s4  }
0xd: {  	s8 =	sshrl.u32 s23, $0x1;
	s7 =	sadd.s32 s4, s0;
	s9 =	smul.u32 $0x300, s4  }
0xe: {  	s6 =	ssub.s32 s23, s8;
	s4 =	sadd.s32 $0xDA300, s0;
	s8 =	simm.s32 $0x80  }
0xf: {  	s23 =	simm.s32 $0x8080;
	s24 =	sadd.s32 $0x2000, s7;
	s6 =	smax.u32 s6, $0x1  }
0x10: {  	v2 =	vlaneseq.u32;
	s7 =	simm.s32 $0x2;
	[dreg:$0x3] =	wrdreg s24;
	s25 =	sadd.s32 s5, s9  }
0x11: {  	vm0 =	vmmov $0xffff;
	v1 =	vshrl.u32 v2, $0x3;
	s5 =	sadd.s32 $0xDA400, s0;
	s9 =	simm.s32 $0x1080;
	s24 =	simm.s32 $0x8880  }
0x12: {  	v0 =	vand.u32 $0x7, v2;
	v2 =	vor.u32 $0x8, v2;
	v1 =	vmul.u32 $0x8, v1;
	s0 =	simm.s32 $0x1;
	[dreg:$0x4] =	wrdreg s25;
	s25 =	simm.s32 $0x9080  }
.LBB2_1:
0x13: {  	s1 =	rddreg [dreg:$0x3]  }
0x14: {  	[tilespmem:s2], [sflag:$0x2] =	stream.linear.gather [hbm4b:s1+s2], $0x40, $0x38;
	[tilespmem:$0xC080] =	vst v63  }
0x15: {  	_ =	swait.ge [sflag:s7], $0x40  }
0x16: {  	[sflag:s7] =	ssyncset.done $0x0  }
0x17: {  	[sflag:s7] =	ssyncadd.s32 $0xFFFFFFC0  }
0x18: {  	v3 =	vld [tilespmem:$0x0];
	_ =	sdelay $0x4  }
0x19: {  	v4 =	vshrl.u32 v3, $0x3  }
0x1a: {  	v4 =	vmul.u32 $0x30, v4  }
0x1b: {  	v3 =	vand.u32 $0x7, v3  }
0x1c: {  	v3 =	vor.u32 v3, v4  }
0x1d: {  	v4 =	vperm.xlane v3, v0;
	_ =	sdelay $0x1  }
0x1e: {  	v4 =	vadd.s32 v1, v4;
	_ =	sdelay $0x3  }
0x1f: {  	v3 =	vperm.xlane v3, v2  }
0x20: {  	[tilespmem:s8], [sflag:$0x1] =	stream.indirect_vreg.gather [hbm4b:s3+s2], $0x80, v4, vm0, $0xb8;
	[tilespmem:$0xC080] =	vst v63  }
0x21: {  	s1 =	rddreg [dreg:$0x5];
	v3 =	vadd.s32 v1, v3  }
0x22: {  	[tilespmem:s1], [sflag:$0x1] =	stream.indirect_vreg.gather [hbm4b:s4+s2], $0x80, v4, vm0, $0xb8;
	[tilespmem:$0xC080] =	vst v63  }
0x23: {  	_ = 	snop  }
0x24: {  	[tilespmem:s9], [sflag:$0x1] =	stream.indirect_vreg.gather [hbm4b:s5+s2], $0x80, v4, vm0, $0xb8;
	[tilespmem:$0xC080] =	vst v63  }
0x25: {  	_ = 	snop  }
0x26: {  	[tilespmem:s10], [sflag:$0x1] =	stream.indirect_vreg.gather [hbm4b:s3+s2], $0x80, v3, vm0, $0xb8;
	[tilespmem:$0xC080] =	vst v63  }
0x27: {  	_ = 	snop  }
0x28: {  	[tilespmem:s11], [sflag:$0x1] =	stream.indirect_vreg.gather [hbm4b:s4+s2], $0x80, v3, vm0, $0xb8;
	[tilespmem:$0xC080] =	vst v63  }
0x29: {  	_ = 	snop  }
0x2a: {  	[tilespmem:s12], [sflag:$0x1] =	stream.indirect_vreg.gather [hbm4b:s5+s2], $0x80, v3, vm0, $0xb8;
	[tilespmem:$0xC080] =	vst v63  }
0x2b: {  	v3 =	vld [tilespmem:$0x10];
	_ =	sdelay $0x4  }
0x2c: {  	v61 =	vshrl.u32 v3, $0x3  }
0x2d: {  	v4 =	vmul.u32 $0x30, v61  }
0x2e: {  	v3 =	vand.u32 $0x7, v3  }
0x2f: {  	v3 =	vor.u32 v3, v4  }
0x30: {  	v4 =	vperm.xlane v3, v0;
	_ =	sdelay $0x1  }
0x31: {  	v4 =	vadd.s32 v1, v4;
	_ =	sdelay $0x3  }
0x32: {  	v3 =	vperm.xlane v3, v2  }
0x33: {  	[tilespmem:s13], [sflag:$0x1] =	stream.indirect_vreg.gather [hbm4b:s3+s2], $0x80, v4, vm0, $0xb8;
	[tilespmem:$0xC080] =	vst v63  }
0x34: {  	v3 =	vadd.s32 v1, v3  }
0x35: {  	[tilespmem:s14], [sflag:$0x1] =	stream.indirect_vreg.gather [hbm4b:s4+s2], $0x80, v4, vm0, $0xb8;
	[tilespmem:$0xC080] =	vst v63  }
0x36: {  	_ = 	snop  }
0x37: {  	[tilespmem:s15], [sflag:$0x1] =	stream.indirect_vreg.gather [hbm4b:s5+s2], $0x80, v4, vm0, $0xb8;
	[tilespmem:$0xC080] =	vst v63  }
0x38: {  	_ = 	snop  }
0x39: {  	[tilespmem:s16], [sflag:$0x1] =	stream.indirect_vreg.gather [hbm4b:s3+s2], $0x80, v3, vm0, $0xb8;
	[tilespmem:$0xC080] =	vst v63  }
0x3a: {  	_ = 	snop  }
0x3b: {  	[tilespmem:s17], [sflag:$0x1] =	stream.indirect_vreg.gather [hbm4b:s4+s2], $0x80, v3, vm0, $0xb8;
	[tilespmem:$0xC080] =	vst v63  }
0x3c: {  	_ = 	snop  }
0x3d: {  	[tilespmem:s18], [sflag:$0x1] =	stream.indirect_vreg.gather [hbm4b:s5+s2], $0x80, v3, vm0, $0xb8;
	[tilespmem:$0xC080] =	vst v63  }
0x3e: {  	v3 =	vld [tilespmem:$0x20];
	_ =	sdelay $0x4  }
0x3f: {  	v62 =	vshrl.u32 v3, $0x3  }
0x40: {  	v4 =	vmul.u32 $0x30, v62  }
0x41: {  	v3 =	vand.u32 $0x7, v3  }
0x42: {  	v3 =	vor.u32 v3, v4  }
0x43: {  	v4 =	vperm.xlane v3, v0;
	_ =	sdelay $0x1  }
0x44: {  	v4 =	vadd.s32 v1, v4;
	_ =	sdelay $0x3  }
0x45: {  	v3 =	vperm.xlane v3, v2  }
0x46: {  	[tilespmem:s19], [sflag:$0x1] =	stream.indirect_vreg.gather [hbm4b:s3+s2], $0x80, v4, vm0, $0xb8;
	[tilespmem:$0xC080] =	vst v63  }
0x47: {  	v3 =	vadd.s32 v1, v3  }
0x48: {  	[tilespmem:s20], [sflag:$0x1] =	stream.indirect_vreg.gather [hbm4b:s4+s2], $0x80, v4, vm0, $0xb8;
	[tilespmem:$0xC080] =	vst v63  }
0x49: {  	_ = 	snop  }
0x4a: {  	[tilespmem:s21], [sflag:$0x1] =	stream.indirect_vreg.gather [hbm4b:s5+s2], $0x80, v4, vm0, $0xb8;
	[tilespmem:$0xC080] =	vst v63  }
0x4b: {  	_ = 	snop  }
0x4c: {  	[tilespmem:s22], [sflag:$0x1] =	stream.indirect_vreg.gather [hbm4b:s3+s2], $0x80, v3, vm0, $0xb8;
	[tilespmem:$0xC080] =	vst v63  }
0x4d: {  	_ = 	snop  }
0x4e: {  	[tilespmem:s23], [sflag:$0x1] =	stream.indirect_vreg.gather [hbm4b:s4+s2], $0x80, v3, vm0, $0xb8;
	[tilespmem:$0xC080] =	vst v63  }
0x4f: {  	_ = 	snop  }
0x50: {  	[tilespmem:s24], [sflag:$0x1] =	stream.indirect_vreg.gather [hbm4b:s5+s2], $0x80, v3, vm0, $0xb8;
	[tilespmem:$0xC080] =	vst v63  }
0x51: {  	v3 =	vld [tilespmem:$0x30];
	_ =	sdelay $0x4  }
0x52: {  	v63 =	vshrl.u32 v3, $0x3  }
0x53: {  	v4 =	vmul.u32 $0x30, v63  }
0x54: {  	v3 =	vand.u32 $0x7, v3  }
0x55: {  	v3 =	vor.u32 v3, v4  }
0x56: {  	v4 =	vperm.xlane v3, v0;
	_ =	sdelay $0x1  }
0x57: {  	v4 =	vadd.s32 v1, v4;
	_ =	sdelay $0x3  }
0x58: {  	v3 =	vperm.xlane v3, v2  }
0x59: {  	[tilespmem:s25], [sflag:$0x1] =	stream.indirect_vreg.gather [hbm4b:s3+s2], $0x80, v4, vm0, $0xb8;
	[tilespmem:$0xC080] =	vst v63  }
0x5a: {  	v3 =	vadd.s32 v1, v3  }
0x5b: {  	[tilespmem:s26], [sflag:$0x1] =	stream.indirect_vreg.gather [hbm4b:s4+s2], $0x80, v4, vm0, $0xb8;
	[tilespmem:$0xC080] =	vst v63  }
0x5c: {  	_ = 	snop  }
0x5d: {  	[tilespmem:s28], [sflag:$0x1] =	stream.indirect_vreg.gather [hbm4b:s5+s2], $0x80, v4, vm0, $0xb8;
	[tilespmem:$0xC080] =	vst v63  }
0x5e: {  	_ = 	snop  }
0x5f: {  	[tilespmem:s29], [sflag:$0x1] =	stream.indirect_vreg.gather [hbm4b:s3+s2], $0x80, v3, vm0, $0xb8;
	[tilespmem:$0xC080] =	vst v63  }
0x60: {  	_ = 	snop  }
0x61: {  	[tilespmem:s30], [sflag:$0x1] =	stream.indirect_vreg.gather [hbm4b:s4+s2], $0x80, v3, vm0, $0xb8;
	[tilespmem:$0xC080] =	vst v63  }
0x62: {  	_ = 	snop  }
0x63: {  	[tilespmem:s31], [sflag:$0x1] =	stream.indirect_vreg.gather [hbm4b:s5+s2], $0x80, v3, vm0, $0xb8;
	[tilespmem:$0xC080] =	vst v63  }
0x64: {  	_ =	swait.ge [sflag:s0], $0xC000  }
0x65: {  	p0 =	sne.s32 s6, $0x1;
	[sflag:s0] =	ssyncset.done $0x0  }
.Ltmp0:
0x66: {  	s1 =	rddreg [dreg:$0x4];
	[sflag:s0] =	ssyncadd.s32 $0xFFFF4000;
	(pc) =	sbr.rel @p0 .LBB2_1-.Ltmp0, $4  }
0x67: {  	[hbm4b:s1+s2] =	stream.linear.scatter [tilespmem:s8], [sflag:$0x2], $0xC000, $0x38;
	[tilespmem:$0xC080] =	vst v63  }
0x68: {  	_ =	swait.ge [sflag:s7], $0xC000  }
0x69: {  	[sflag:s7] =	ssyncset.done $0x0  }
0x6a: {  	s6 =	sadd.s32 $0xFFFFFFFF, s6;
	[sflag:s7] =	ssyncadd.s32 $0xFFFF4000  }
0x6b: {  	_ =	sfence.sel $0x180000  }
0x6c: {  	[bflag:$0x0] =	sbarrier.arrive $0xFFFF  }
0x6d: {  	_ =	strace $0x9000004A  }
0x6e: {  	s0 =	stileid.u32;
	[bflag:$0x2] =	sbarrier.arrive $0xFFFF  }
0x6f: {  	p0 =	sne.s32 s0, $0x0;
	s0 =	rddreg [dreg:$0x2]  }
0x70: {  	s0 =	sadd.s32 @!p0 $0x100000, s0  }
0x71: {  	[sflag:s0] =	ssyncadd.tile.s32 @!p0 $0x1;
	_ =	shalt  }
.Lfunc_end2:
_tile_overlayer_lowered:
.L_overlay_start_2:
0x72: {  	(tag) =	ssettag $0x2  }
0x73: {  	s0 =	rddreg [dreg:$0x0];
	s2 =	stileid.u32  }
0x74: {  	s1 =	rddreg [dreg:$0x1];
	p0 =	sne.s32 s2, $0x0  }
0x75: {  	s3 =	rddreg [dreg:$0x2];
	[bflag:$0x3] =	sbarrier.arrive $0xFFFF;
	s2 =	simm.s32 @!p0 $0x1C02  }
0x76: {  	[timem:s3], [sflag:s2] =	dma.local @!p0 [hbm:s0], s1  }
0x77: {  	s0 =	simm.s32 @!p0 $0x2  }
0x78: {  	_ =	swait.ge @!p0 [sflag:s0], s1  }
0x79: {  	s1 =	ssub.s32 @!p0 $0x0, s1;
	[sflag:s0] =	ssyncset.done @!p0 $0x0  }
0x7a: {  	[sflag:s0] =	ssyncadd.s32 @!p0 s1  }
0x7b: {  	[bflag:$0x3] =	sbarrier.arrive $0xFFFF  }
0x7c: {  	_ =	shalt  }

</sc_bundles>
